<compile_context>
chip_gen: v7x
topology: tpu7x:2x2x1
jax: 0.10.2.dev20260603
libtpu: 0.0.44.dev20260713+nightly
codegen_flags: <defaults>
</compile_context>

<pallas_src>
import functools

import jax
import jax.numpy as jnp
from jax import lax
from jax.experimental import pallas as pl
from jax.experimental.pallas import tpu as pltpu
from jax.experimental.pallas import tpu_sc as plsc

L = 16
D = 128
H = 128
BLK = 512

NC = 2
NS = 16
NW = NC * NS
CHUNK = 128
N_ACC = 10240


def _segsum_body(y_hbm, src_hbm, dst_hbm, z_hbm, out_hbm,
                 src_v, dst_v, rows_v, acc_sh, sem):
    c = lax.axis_index("c")
    s = lax.axis_index("s")
    wid = c * NS + s
    rows_per_tile = N_ACC // NS
    nchunks = src_hbm.shape[0] // (NW * CHUNK)
    pltpu.sync_copy(z_hbm, acc_sh.at[pl.ds(s * rows_per_tile, rows_per_tile)])
    plsc.subcore_barrier()
    base0 = wid * nchunks * CHUNK

    def chunk(i, carry):
        base = pl.multiple_of(base0 + i * CHUNK, CHUNK)
        pltpu.sync_copy(src_hbm.at[pl.ds(base, CHUNK)], src_v)
        pltpu.async_copy(y_hbm.at[src_v], rows_v, sem).wait()
        pltpu.sync_copy(dst_hbm.at[pl.ds(base, CHUNK)], dst_v)
        pltpu.sync_copy(rows_v, acc_sh.at[dst_v], add=True)
        return carry

    lax.fori_loop(0, nchunks, chunk, 0)
    plsc.subcore_barrier()
    pltpu.sync_copy(acc_sh.at[pl.ds(s * rows_per_tile, rows_per_tile)],
                    out_hbm.at[c, pl.ds(s * rows_per_tile, rows_per_tile)])


def _segsum_sc(y, src_p, dst_p):
    mesh = plsc.VectorSubcoreMesh(core_axis_name="c", subcore_axis_name="s")
    z = jnp.zeros((N_ACC // NS, D), jnp.float32)
    f = functools.partial(
        pl.kernel, mesh=mesh,
        out_type=jax.ShapeDtypeStruct((NC, N_ACC, D), jnp.float32),
        name="segsum",
        scratch_types=[
            pltpu.VMEM((CHUNK,), jnp.int32),
            pltpu.VMEM((CHUNK,), jnp.int32),
            pltpu.VMEM((CHUNK, D), jnp.float32),
            pltpu.VMEM_SHARED((N_ACC, D), jnp.float32),
            pltpu.SemaphoreType.DMA,
        ],
    )(_segsum_body)
    return f(y, src_p, dst_p, z)


def _deg_body(dst_hbm, ones_hbm, z_hbm, out_hbm,
              ones_v, dst_v, acc_sh):
    c = lax.axis_index("c")
    s = lax.axis_index("s")
    wid = c * NS + s
    rows_per_tile = N_ACC // NS
    nchunks = dst_hbm.shape[0] // (NW * CHUNK)
    pltpu.sync_copy(z_hbm, acc_sh.at[pl.ds(s * rows_per_tile, rows_per_tile)])
    pltpu.sync_copy(ones_hbm, ones_v)
    plsc.subcore_barrier()
    base0 = wid * nchunks * CHUNK

    def chunk(i, carry):
        base = pl.multiple_of(base0 + i * CHUNK, CHUNK)
        pltpu.sync_copy(dst_hbm.at[pl.ds(base, CHUNK)], dst_v)
        pltpu.sync_copy(ones_v, acc_sh.at[dst_v], add=True)
        return carry

    lax.fori_loop(0, nchunks, chunk, 0)
    plsc.subcore_barrier()
    pltpu.sync_copy(acc_sh.at[pl.ds(s * rows_per_tile, rows_per_tile)],
                    out_hbm.at[c, pl.ds(s * rows_per_tile, rows_per_tile)])


def _deg_sc(dst_p):
    mesh = plsc.VectorSubcoreMesh(core_axis_name="c", subcore_axis_name="s")
    z = jnp.zeros((N_ACC // NS,), jnp.float32)
    ones = jnp.ones((CHUNK,), jnp.float32)
    f = functools.partial(
        pl.kernel, mesh=mesh,
        out_type=jax.ShapeDtypeStruct((NC, N_ACC), jnp.float32),
        scratch_types=[
            pltpu.VMEM((CHUNK,), jnp.float32),
            pltpu.VMEM((CHUNK,), jnp.int32),
            pltpu.VMEM_SHARED((N_ACC,), jnp.float32),
        ],
    )(_deg_body)
    return f(dst_p, ones, z)


def _gru_body(emb_ref, h0_ref, wih_ref, whh_ref, bih_ref, bhh_ref, out_ref,
              gi_ref):
    blk = h0_ref.shape[0]
    x_all = emb_ref[...].reshape(L * blk, D)
    gi_all = jnp.dot(x_all, wih_ref[...],
                     preferred_element_type=jnp.float32)
    gi_ref[...] = (gi_all + bih_ref[...]).reshape(L, blk, 3 * H)
    whh = whh_ref[...]
    bhh = bhh_ref[...]

    def step(t, h):
        gi = gi_ref[t]
        gh = jnp.dot(h, whh, preferred_element_type=jnp.float32) + bhh
        r = jax.nn.sigmoid(gi[:, :H] + gh[:, :H])
        z = jax.nn.sigmoid(gi[:, H:2 * H] + gh[:, H:2 * H])
        n = jnp.tanh(gi[:, 2 * H:] + r * gh[:, 2 * H:])
        return n + z * (h - n)

    out_ref[...] = jax.lax.fori_loop(0, L, step, h0_ref[...])


def _gru(emb_seq, h0p, wih_t, whh_t, bih, bhh):
    n_pad = emb_seq.shape[1]
    return pl.pallas_call(
        _gru_body,
        grid=(n_pad // BLK,),
        in_specs=[
            pl.BlockSpec((L, BLK, D), lambda i: (0, i, 0)),
            pl.BlockSpec((BLK, H), lambda i: (i, 0)),
            pl.BlockSpec((D, 3 * H), lambda i: (0, 0)),
            pl.BlockSpec((H, 3 * H), lambda i: (0, 0)),
            pl.BlockSpec((1, 3 * H), lambda i: (0, 0)),
            pl.BlockSpec((1, 3 * H), lambda i: (0, 0)),
        ],
        out_specs=pl.BlockSpec((BLK, H), lambda i: (i, 0)),
        out_shape=jax.ShapeDtypeStruct((n_pad, H), jnp.float32),
        scratch_shapes=[pltpu.VMEM((L, BLK, 3 * H), jnp.float32)],
        compiler_params=pltpu.CompilerParams(
            dimension_semantics=("arbitrary",)),
    )(emb_seq, h0p, wih_t, whh_t, bih, bhh)


BLK2 = 1024


def _stage_d_body(x1_ref, w1_ref, dinv_ref, xw1_ref, y1_ref):
    xw1 = jnp.dot(x1_ref[...], w1_ref[...], preferred_element_type=jnp.float32)
    xw1_ref[...] = xw1
    y1_ref[...] = xw1 * dinv_ref[...]


def _stage_d(x1p, W1, dinv_b):
    return pl.pallas_call(
        _stage_d_body,
        grid=(N_ACC // BLK2,),
        in_specs=[
            pl.BlockSpec((BLK2, H), lambda i: (i, 0)),
            pl.BlockSpec((H, H), lambda i: (0, 0)),
            pl.BlockSpec((BLK2, H), lambda i: (i, 0)),
        ],
        out_specs=[
            pl.BlockSpec((BLK2, H), lambda i: (i, 0)),
            pl.BlockSpec((BLK2, H), lambda i: (i, 0)),
        ],
        out_shape=[
            jax.ShapeDtypeStruct((N_ACC, H), jnp.float32),
            jax.ShapeDtypeStruct((N_ACC, H), jnp.float32),
        ],
        compiler_params=pltpu.CompilerParams(
            dimension_semantics=("arbitrary",)),
    )(x1p, W1, dinv_b)


def _stage_f_body(s1a_ref, s1b_ref, xw1_ref, dinv_ref, oh_ref, x1r_ref,
                  w2_ref, b1_ref, xw2_ref, y2_ref, x2r_ref):
    i = pl.program_id(0)
    dinv = dinv_ref[...]
    x2 = dinv * (s1a_ref[0] + s1b_ref[0]) + dinv * dinv * xw1_ref[...] \
        + b1_ref[...]
    x1root = jnp.dot(oh_ref[...], x1r_ref[...],
                     preferred_element_type=jnp.float32)
    xcat = jax.nn.relu(jnp.concatenate([x2, x1root], axis=1))
    xw2 = jnp.dot(xcat, w2_ref[...], preferred_element_type=jnp.float32)
    xw2_ref[...] = xw2
    y2_ref[...] = xw2 * dinv

    @pl.when(i == 0)
    def _():
        x2r_ref[...] = x2[:128, :]


def _stage_f(s1p, xw1, dinv_b, onehot, x1r, W2, b1):
    return pl.pallas_call(
        _stage_f_body,
        grid=(N_ACC // BLK2,),
        in_specs=[
            pl.BlockSpec((1, BLK2, H), lambda i: (0, i, 0)),
            pl.BlockSpec((1, BLK2, H), lambda i: (0, i, 0)),
            pl.BlockSpec((BLK2, H), lambda i: (i, 0)),
            pl.BlockSpec((BLK2, H), lambda i: (i, 0)),
            pl.BlockSpec((BLK2, 128), lambda i: (i, 0)),
            pl.BlockSpec((128, H), lambda i: (0, 0)),
            pl.BlockSpec((2 * H, H), lambda i: (0, 0)),
            pl.BlockSpec((1, H), lambda i: (0, 0)),
        ],
        out_specs=[
            pl.BlockSpec((BLK2, H), lambda i: (i, 0)),
            pl.BlockSpec((BLK2, H), lambda i: (i, 0)),
            pl.BlockSpec((128, H), lambda i: (0, 0)),
        ],
        out_shape=[
            jax.ShapeDtypeStruct((N_ACC, H), jnp.float32),
            jax.ShapeDtypeStruct((N_ACC, H), jnp.float32),
            jax.ShapeDtypeStruct((128, H), jnp.float32),
        ],
        compiler_params=pltpu.CompilerParams(
            dimension_semantics=("arbitrary",)),
    )(s1p.reshape(NC, N_ACC, H)[0:1], s1p.reshape(NC, N_ACC, H)[1:2],
      xw1, dinv_b, onehot, x1r, W2, b1)


def _stage_g_body(s2a_ref, s2b_ref, xw2_ref, dinv_ref, oh_ref, x2r_ref,
                  wf_ref, b2_ref, bf_ref, cntinv_ref, out_ref, acc_ref):
    i = pl.program_id(0)
    dinv = dinv_ref[...]
    x3 = jax.nn.relu(dinv * (s2a_ref[0] + s2b_ref[0])
                     + dinv * dinv * xw2_ref[...] + b2_ref[...])
    x2root = jnp.dot(oh_ref[...], x2r_ref[...],
                     preferred_element_type=jnp.float32)
    xf = jnp.concatenate([x3, x2root], axis=1)
    part = jax.lax.dot_general(oh_ref[...], xf, (((0,), (0,)), ((), ())),
                               preferred_element_type=jnp.float32)

    @pl.when(i == 0)
    def _():
        acc_ref[...] = jnp.zeros_like(acc_ref)

    acc_ref[...] += part

    @pl.when(i == pl.num_programs(0) - 1)
    def _():
        mean = acc_ref[...] * cntinv_ref[...]
        out_ref[...] = jnp.dot(mean, wf_ref[...],
                               preferred_element_type=jnp.float32) \
            + bf_ref[...]


def _stage_g(s2p, xw2, dinv_b, onehot, x2r, Wf, b2, bf, cntinv_b):
    return pl.pallas_call(
        _stage_g_body,
        grid=(N_ACC // BLK2,),
        in_specs=[
            pl.BlockSpec((1, BLK2, H), lambda i: (0, i, 0)),
            pl.BlockSpec((1, BLK2, H), lambda i: (0, i, 0)),
            pl.BlockSpec((BLK2, H), lambda i: (i, 0)),
            pl.BlockSpec((BLK2, H), lambda i: (i, 0)),
            pl.BlockSpec((BLK2, 128), lambda i: (i, 0)),
            pl.BlockSpec((128, H), lambda i: (0, 0)),
            pl.BlockSpec((2 * H, 128), lambda i: (0, 0)),
            pl.BlockSpec((1, H), lambda i: (0, 0)),
            pl.BlockSpec((1, 128), lambda i: (0, 0)),
            pl.BlockSpec((128, 2 * H), lambda i: (0, 0)),
        ],
        out_specs=pl.BlockSpec((128, 128), lambda i: (0, 0)),
        out_shape=jax.ShapeDtypeStruct((128, 128), jnp.float32),
        scratch_shapes=[pltpu.VMEM((128, 2 * H), jnp.float32)],
        compiler_params=pltpu.CompilerParams(
            dimension_semantics=("arbitrary",)),
    )(s2p.reshape(NC, N_ACC, H)[0:1], s2p.reshape(NC, N_ACC, H)[1:2],
      xw2, dinv_b, onehot, x2r, Wf, b2, bf, cntinv_b)


def kernel(user_text, user_feats, graph_node_features, graph_edge_index,
           merged_tree_feature, merged_tree_edge_index, indices,
           emb_table, h0, W_ih, W_hh, b_ih, b_hh,
           W1, b1, W2, b2, Wf, bf):
    n = merged_tree_feature.shape[0]
    b_trees = user_text.shape[0]
    n_pad = ((n + BLK - 1) // BLK) * BLK
    pad = n_pad - n

    emb = jnp.take(emb_table, merged_tree_feature.reshape(-1), axis=0)
    emb_seq = jnp.transpose(emb.reshape(n, L, D), (1, 0, 2))
    emb_seq = jnp.pad(emb_seq, ((0, 0), (0, pad), (0, 0)))
    h0p = jnp.pad(h0, ((0, pad), (0, 0)))
    x1p = _gru(emb_seq, h0p, W_ih.T, W_hh.T, b_ih[None, :], b_hh[None, :])

    src = merged_tree_edge_index[0].astype(jnp.int32)
    dst = merged_tree_edge_index[1].astype(jnp.int32)
    e = src.shape[0]
    quant = NW * CHUNK
    e_pad = ((e + quant - 1) // quant) * quant
    src_p = jnp.concatenate(
        [src, jnp.zeros((e_pad - e,), jnp.int32)])
    dst_p = jnp.concatenate(
        [dst, jnp.full((e_pad - e,), N_ACC - 1, jnp.int32)])

    degp = _deg_sc(dst_p)
    deg = degp[0] + degp[1] + 1.0
    dinv_b = jnp.broadcast_to(jax.lax.rsqrt(deg)[:, None], (N_ACC, H))

    idx_p = jnp.concatenate(
        [indices.astype(jnp.int32),
         jnp.full((N_ACC - n,), b_trees, jnp.int32)])
    onehot = (idx_p[:, None] ==
              jnp.arange(b_trees, dtype=jnp.int32)[None, :]).astype(
                  jnp.float32)
    cnt = jnp.sum(onehot, axis=0)
    cntinv_b = jnp.broadcast_to(
        (1.0 / jnp.clip(cnt, 1.0, None))[:, None], (b_trees, 2 * H))

    xw1, y1 = _stage_d(x1p, W1, dinv_b)
    s1p = _segsum_sc(y1, src_p, dst_p)
    xw2, y2, x2r = _stage_f(s1p, xw1, dinv_b, onehot, x1p[:128], W2,
                            b1[None, :])
    s2p = _segsum_sc(y2, src_p, dst_p)
    wf_p = jnp.pad(Wf, ((0, 0), (0, 128 - Wf.shape[1])))
    bf_p = jnp.pad(bf, ((0, 128 - bf.shape[0]),))
    out = _stage_g(s2p, xw2, dinv_b, onehot, x2r, wf_p, b2[None, :],
                   bf_p[None, :], cntinv_b)
    return out[:, :Wf.shape[1]]

# --- scband reference (transcript-rebuilt; emitter-appended) ---
"""Pipeline reference for scband-net-69810398429650 (READ-ONLY COPY).

The authoritative reference and input builder live on the scoring server;
editing this copy changes nothing except your own understanding.
"""

import jax, jax.numpy as jnp
import numpy as np

N = 10000
E = 320000
L = 16
VOCAB = 30000
D = 128
H = 128
H1 = 128
H2 = 128
B = 128


def setup_inputs(seed: int = 0) -> dict:
    key = jax.random.key(seed)
    ks = jax.random.split(key, 24)

    def sc(k, shape, fan):
        return (jax.random.normal(k, shape, dtype=jnp.float32) / np.sqrt(fan)).astype(jnp.float32)

    inp = {}
    inp["user_text"] = jax.random.randint(ks[0], (B, L), 0, VOCAB)
    inp["user_feats"] = jax.random.normal(ks[1], (B, 10), dtype=jnp.float32)
    inp["graph_node_features"] = jax.random.normal(ks[2], (N, D), dtype=jnp.float32)
    inp["graph_edge_index"] = jax.random.randint(ks[3], (2, E), 0, N)
    inp["merged_tree_feature"] = jax.random.randint(ks[4], (N, L), 0, VOCAB)
    inp["merged_tree_edge_index"] = jax.random.randint(ks[5], (2, E), 0, N)
    inp["indices"] = jnp.sort(jax.random.randint(ks[6], (N,), 0, B))
    inp["emb_table"] = sc(ks[7], (VOCAB, D), D)
    inp["h0"] = jax.random.normal(ks[8], (N, H), dtype=jnp.float32)
    inp["W_ih"] = sc(ks[9], (3 * H, D), H)
    inp["W_hh"] = sc(ks[10], (3 * H, H), H)
    inp["b_ih"] = jnp.zeros((3 * H,), dtype=jnp.float32)
    inp["b_hh"] = jnp.zeros((3 * H,), dtype=jnp.float32)
    inp["W1"] = sc(ks[11], (H, H1), H)
    inp["b1"] = jnp.zeros((H1,), dtype=jnp.float32)
    inp["W2"] = sc(ks[12], (H + H1, H2), H + H1)
    inp["b2"] = jnp.zeros((H2,), dtype=jnp.float32)
    inp["Wf"] = sc(ks[13], (H2 + H1, 4), H2 + H1)
    inp["bf"] = jnp.zeros((4,), dtype=jnp.float32)
    return inp


def _gru_last(x_seq, h0, W_ih, W_hh, b_ih, b_hh):
    # PyTorch-equation GRU, single layer; returns final hidden state h_T [N, H]
    def step(h, x_t):
        gi = x_t @ W_ih.T + b_ih
        gh = h @ W_hh.T + b_hh
        i_r, i_z, i_n = jnp.split(gi, 3, axis=-1)
        h_r, h_z, h_n = jnp.split(gh, 3, axis=-1)
        r = jax.nn.sigmoid(i_r + h_r)
        z = jax.nn.sigmoid(i_z + h_z)
        n = jnp.tanh(i_n + r * h_n)
        return (1.0 - z) * n + z * h, None
    hT, _ = jax.lax.scan(step, h0, x_seq)
    return hT


def _gcn_conv(x, src, dst, W, b, n):
    # torch_geometric GCNConv: linear -> add self-loops -> sym-normalized scatter-add
    xw = x @ W
    loop = jnp.arange(n, dtype=src.dtype)
    s = jnp.concatenate([src, loop])
    d = jnp.concatenate([dst, loop])
    deg = jax.ops.segment_sum(jnp.ones(s.shape[0], dtype=x.dtype), d, num_segments=n)
    dinv = jnp.where(deg > 0, jax.lax.rsqrt(deg), 0.0)
    norm = dinv[s] * dinv[d]
    msg = jnp.take(xw, s, axis=0) * norm[:, None]
    return jax.ops.segment_sum(msg, d, num_segments=n) + b


def reference(user_text, user_feats, graph_node_features, graph_edge_index,
              merged_tree_feature, merged_tree_edge_index, indices,
              emb_table, h0, W_ih, W_hh, b_ih, b_hh,
              W1, b1, W2, b2, Wf, bf):
    # TreeGCN
    emb = jnp.take(emb_table, merged_tree_feature, axis=0)  # [N, L, D]
    x_seq = jnp.transpose(emb, (1, 0, 2))  # [L, N, D]
    x_in = _gru_last(x_seq, h0, W_ih, W_hh, b_ih, b_hh)  # [N, H]
    x1 = x_in
    src = merged_tree_edge_index[0]
    dst = merged_tree_edge_index[1]
    x = _gcn_conv(x_in, src, dst, W1, b1, N)  # [N, H1]
    x2 = x
    # root_extend loop is equivalent to gathering root rows (row b is root of tree b)
    x = jnp.concatenate([x, jnp.take(x1, indices, axis=0)], axis=1)
    x = jax.nn.relu(x)
    # dropout is identity in eval mode
    x = _gcn_conv(x, src, dst, W2, b2, N)  # [N, H2]
    x = jax.nn.relu(x)
    x = jnp.concatenate([x, jnp.take(x2, indices, axis=0)], axis=1)  # [N, H2+H1]
    # scatter_mean over trees
    sums = jax.ops.segment_sum(x, indices, num_segments=B)
    cnt = jax.ops.segment_sum(jnp.ones((N,), dtype=x.dtype), indices, num_segments=B)
    mean = sums / jnp.clip(cnt, 1.0, None)[:, None]
    return mean @ Wf + bf


if False:  # reference __main__ guard neutralized (emitter)
    out = reference(**setup_inputs())
    print(out.shape)

if __name__ == "__main__":
    import jax
    _d = setup_inputs()
    print(jax.jit(kernel)(*tuple(_d.values())))

</pallas_src>

<mosaic_0001>
#map = affine_map<(d0, d1) -> (0, 0)>
#map1 = affine_map<(d0, d1) -> (0)>
#map2 = affine_map<(d0, d1) -> (0, 0, 0)>
module attributes {stable_mosaic.version = 14 : i64} {
  func.func @segsum(%arg0: i32, %arg1: i32, %arg2: memref<10240x128xf32, #tpu.memory_space<hbm>>, %arg3: memref<323584xi32, #tpu.memory_space<hbm>>, %arg4: memref<323584xi32, #tpu.memory_space<hbm>>, %arg5: memref<640x128xf32, #tpu.memory_space<hbm>>, %arg6: memref<2x10240x128xf32, #tpu.memory_space<hbm>>, %arg7: memref<128xi32, #tpu.memory_space<vmem>>, %arg8: memref<128xi32, #tpu.memory_space<vmem>>, %arg9: memref<128x128xf32, #tpu.memory_space<vmem>>, %arg10: memref<10240x128xf32, #tpu.memory_space<vmem_shared>>, %arg11: memref<!tpu.dma_semaphore, #tpu.memory_space<semaphore_mem>>) attributes {dimension_semantics = [#tpu.dimension_semantics<core_parallel>, #tpu.dimension_semantics<subcore_parallel>], iteration_bounds = array<i64: 2, 16>, scalar_prefetch = 0 : i64, scratch_operands = 5 : i64, tpu.core_type = #tpu.core_type<sc_vector_subcore>, window_params = [{transform_indices = #map}, {transform_indices = #map1}, {transform_indices = #map1}, {transform_indices = #map}, {transform_indices = #map2}]} {
    %mul3A = arith.constant 16 : i32
    %mul3A_0 = arith.muli %arg0, %mul3A : i32
    %add3A = arith.addi %mul3A_0, %arg1 : i32
    %mul3A_1 = arith.constant 640 : i32
    %mul3A_2 = arith.muli %arg1, %mul3A_1 : i32
    "tpu.region"() ({
      %run_scoped3A = tpu.sem_alloc : memref<!tpu.dma_semaphore, #tpu.memory_space<semaphore_mem>>
      %dma_start3A = arith.constant 0 : i32
      %dma_start3A_17 = tpu.memref_slice %arg10[%mul3A_2, %dma_start3A] : memref<10240x128xf32, #tpu.memory_space<vmem_shared>> -> memref<640x128xf32, #tpu.memory_space<vmem_shared>>
      tpu.enqueue_dma source(%arg5 : memref<640x128xf32, #tpu.memory_space<hbm>>) target(%dma_start3A_17 : memref<640x128xf32, #tpu.memory_space<vmem_shared>>) target_semaphore(%run_scoped3A : memref<!tpu.dma_semaphore, #tpu.memory_space<semaphore_mem>>)
      %dma_wait3A = arith.constant 0 : i32
      %dma_wait3A_18 = tpu.memref_slice %arg10[%mul3A_2, %dma_wait3A] : memref<10240x128xf32, #tpu.memory_space<vmem_shared>> -> memref<640x128xf32, #tpu.memory_space<vmem_shared>>
      tpu.wait_dma2 semaphore(%run_scoped3A : memref<!tpu.dma_semaphore, #tpu.memory_space<semaphore_mem>>) src(%arg5 : memref<640x128xf32, #tpu.memory_space<hbm>>) dst(%dma_wait3A_18 : memref<640x128xf32, #tpu.memory_space<vmem_shared>>)
      tpu.yield
    }) : () -> ()
    %barrier3A = arith.constant 0 : index
    tpu.barrier barrier_id(%barrier3A)
    %mul3A_3 = arith.constant 79 : i32
    %mul3A_4 = arith.muli %add3A, %mul3A_3 : i32
    %mul3A_5 = arith.constant 128 : i32
    %mul3A_6 = arith.muli %mul3A_4, %mul3A_5 : i32
    %scan3A = arith.constant 0 : i32
    %scan3A_7 = arith.constant 0 : i32
    %scan3A_8 = arith.constant 79 : i32
    %scan3A_9 = arith.addi %scan3A_7, %scan3A_8 : i32
    %scan3A_10 = arith.constant 1 : i32
    scf.for %scan3A_17 = %scan3A_7 to %scan3A_9 step %scan3A_10  : i32 {
      %mul3A_18 = arith.constant 128 : i32
      %mul3A_19 = arith.muli %scan3A_17, %mul3A_18 : i32
      %add3A_20 = arith.addi %mul3A_6, %mul3A_19 : i32
      %multiple_of3A = tpu.assume_multiple %add3A_20, 128 : i32
      "tpu.region"() ({
        %run_scoped3A = tpu.sem_alloc : memref<!tpu.dma_semaphore, #tpu.memory_space<semaphore_mem>>
        %dma_start3A_25 = tpu.memref_slice %arg3[%multiple_of3A] : memref<323584xi32, #tpu.memory_space<hbm>> -> memref<128xi32, #tpu.memory_space<hbm>>
        %dma_start3A_26 = tpu.memref_slice %arg3[%multiple_of3A] : memref<323584xi32, #tpu.memory_space<hbm>> -> memref<128xi32, #tpu.memory_space<hbm>>
        tpu.enqueue_dma source(%dma_start3A_26 : memref<128xi32, #tpu.memory_space<hbm>>) target(%arg7 : memref<128xi32, #tpu.memory_space<vmem>>) target_semaphore(%run_scoped3A : memref<!tpu.dma_semaphore, #tpu.memory_space<semaphore_mem>>)
        %dma_wait3A_27 = tpu.memref_slice %arg3[%multiple_of3A] : memref<323584xi32, #tpu.memory_space<hbm>> -> memref<128xi32, #tpu.memory_space<hbm>>
        %dma_wait3A_28 = tpu.memref_slice %arg3[%multiple_of3A] : memref<323584xi32, #tpu.memory_space<hbm>> -> memref<128xi32, #tpu.memory_space<hbm>>
        tpu.wait_dma2 semaphore(%run_scoped3A : memref<!tpu.dma_semaphore, #tpu.memory_space<semaphore_mem>>) src(%dma_wait3A_28 : memref<128xi32, #tpu.memory_space<hbm>>) dst(%arg7 : memref<128xi32, #tpu.memory_space<vmem>>)
        tpu.yield
      }) : () -> ()
      %dma_start3A = arith.constant 0 : i32
      %dma_start3A_21 = arith.constant 0 : i32
      %dma_start3A_22 = tpu.memref_slice %arg2[%dma_start3A, %dma_start3A_21] : memref<10240x128xf32, #tpu.memory_space<hbm>> -> memref<10240x128xf32, #tpu.memory_space<hbm>>
      tpu.enqueue_indirect_dma source(%dma_start3A_22 : memref<10240x128xf32, #tpu.memory_space<hbm>>) target(%arg9 : memref<128x128xf32, #tpu.memory_space<vmem>>) offsets(%arg7 : memref<128xi32, #tpu.memory_space<vmem>>) semaphore(%arg11 : memref<!tpu.dma_semaphore, #tpu.memory_space<semaphore_mem>>)
      %dma_wait3A = arith.constant 0 : i32
      %dma_wait3A_23 = arith.constant 0 : i32
      %dma_wait3A_24 = tpu.memref_slice %arg2[%dma_wait3A, %dma_wait3A_23] : memref<10240x128xf32, #tpu.memory_space<hbm>> -> memref<10240x128xf32, #tpu.memory_space<hbm>>
      tpu.wait_indirect_dma semaphore(%arg11 : memref<!tpu.dma_semaphore, #tpu.memory_space<semaphore_mem>>) src(%dma_wait3A_24 : memref<10240x128xf32, #tpu.memory_space<hbm>>) dst(%arg9 : memref<128x128xf32, #tpu.memory_space<vmem>>)
      "tpu.region"() ({
        %run_scoped3A = tpu.sem_alloc : memref<!tpu.dma_semaphore, #tpu.memory_space<semaphore_mem>>
        %dma_start3A_25 = tpu.memref_slice %arg4[%multiple_of3A] : memref<323584xi32, #tpu.memory_space<hbm>> -> memref<128xi32, #tpu.memory_space<hbm>>
        %dma_start3A_26 = tpu.memref_slice %arg4[%multiple_of3A] : memref<323584xi32, #tpu.memory_space<hbm>> -> memref<128xi32, #tpu.memory_space<hbm>>
        tpu.enqueue_dma source(%dma_start3A_26 : memref<128xi32, #tpu.memory_space<hbm>>) target(%arg8 : memref<128xi32, #tpu.memory_space<vmem>>) target_semaphore(%run_scoped3A : memref<!tpu.dma_semaphore, #tpu.memory_space<semaphore_mem>>)
        %dma_wait3A_27 = tpu.memref_slice %arg4[%multiple_of3A] : memref<323584xi32, #tpu.memory_space<hbm>> -> memref<128xi32, #tpu.memory_space<hbm>>
        %dma_wait3A_28 = tpu.memref_slice %arg4[%multiple_of3A] : memref<323584xi32, #tpu.memory_space<hbm>> -> memref<128xi32, #tpu.memory_space<hbm>>
        tpu.wait_dma2 semaphore(%run_scoped3A : memref<!tpu.dma_semaphore, #tpu.memory_space<semaphore_mem>>) src(%dma_wait3A_28 : memref<128xi32, #tpu.memory_space<hbm>>) dst(%arg8 : memref<128xi32, #tpu.memory_space<vmem>>)
        tpu.yield
      }) : () -> ()
      "tpu.region"() ({
        %run_scoped3A = tpu.sem_alloc : memref<!tpu.dma_semaphore, #tpu.memory_space<semaphore_mem>>
        %dma_start3A_25 = arith.constant 0 : i32
        %dma_start3A_26 = arith.constant 0 : i32
        %dma_start3A_27 = tpu.memref_slice %arg10[%dma_start3A_25, %dma_start3A_26] : memref<10240x128xf32, #tpu.memory_space<vmem_shared>> -> memref<10240x128xf32, #tpu.memory_space<vmem_shared>>
        tpu.enqueue_indirect_dma source(%arg9 : memref<128x128xf32, #tpu.memory_space<vmem>>) target(%dma_start3A_27 : memref<10240x128xf32, #tpu.memory_space<vmem_shared>>) offsets(%arg8 : memref<128xi32, #tpu.memory_space<vmem>>) semaphore(%run_scoped3A : memref<!tpu.dma_semaphore, #tpu.memory_space<semaphore_mem>>) {add = true}
        %dma_wait3A_28 = arith.constant 0 : i32
        %dma_wait3A_29 = arith.constant 0 : i32
        %dma_wait3A_30 = tpu.memref_slice %arg10[%dma_wait3A_28, %dma_wait3A_29] : memref<10240x128xf32, #tpu.memory_space<vmem_shared>> -> memref<10240x128xf32, #tpu.memory_space<vmem_shared>>
        tpu.wait_indirect_dma semaphore(%run_scoped3A : memref<!tpu.dma_semaphore, #tpu.memory_space<semaphore_mem>>) src(%arg9 : memref<128x128xf32, #tpu.memory_space<vmem>>) dst(%dma_wait3A_30 : memref<10240x128xf32, #tpu.memory_space<vmem_shared>>)
        tpu.yield
      }) : () -> ()
    }
    %scan3A_11 = arith.constant 79 : i32
    %barrier3A_12 = arith.constant 0 : index
    tpu.barrier barrier_id(%barrier3A_12)
    %mul3A_13 = arith.constant 640 : i32
    %mul3A_14 = arith.muli %arg1, %mul3A_13 : i32
    %mul3A_15 = arith.constant 640 : i32
    %mul3A_16 = arith.muli %arg1, %mul3A_15 : i32
    "tpu.region"() ({
      %run_scoped3A = tpu.sem_alloc : memref<!tpu.dma_semaphore, #tpu.memory_space<semaphore_mem>>
      %dma_start3A = arith.constant 0 : i32
      %dma_start3A_17 = tpu.memref_slice %arg6[%arg0, %mul3A_16, %dma_start3A] : memref<2x10240x128xf32, #tpu.memory_space<hbm>> -> memref<1x640x128xf32, #tpu.memory_space<hbm>>
      %dma_start3A_18 = tpu.memref_squeeze %dma_start3A_17 : memref<1x640x128xf32, #tpu.memory_space<hbm>> -> memref<640x128xf32, #tpu.memory_space<hbm>>
      %dma_start3A_19 = arith.constant 0 : i32
      %dma_start3A_20 = tpu.memref_slice %arg10[%mul3A_14, %dma_start3A_19] : memref<10240x128xf32, #tpu.memory_space<vmem_shared>> -> memref<640x128xf32, #tpu.memory_space<vmem_shared>>
      tpu.enqueue_dma source(%dma_start3A_20 : memref<640x128xf32, #tpu.memory_space<vmem_shared>>) target(%dma_start3A_18 : memref<640x128xf32, #tpu.memory_space<hbm>>) target_semaphore(%run_scoped3A : memref<!tpu.dma_semaphore, #tpu.memory_space<semaphore_mem>>)
      %dma_wait3A = arith.constant 0 : i32
      %dma_wait3A_21 = tpu.memref_slice %arg6[%arg0, %mul3A_16, %dma_wait3A] : memref<2x10240x128xf32, #tpu.memory_space<hbm>> -> memref<1x640x128xf32, #tpu.memory_space<hbm>>
      %dma_wait3A_22 = tpu.memref_squeeze %dma_wait3A_21 : memref<1x640x128xf32, #tpu.memory_space<hbm>> -> memref<640x128xf32, #tpu.memory_space<hbm>>
      %dma_wait3A_23 = arith.constant 0 : i32
      %dma_wait3A_24 = tpu.memref_slice %arg10[%mul3A_14, %dma_wait3A_23] : memref<10240x128xf32, #tpu.memory_space<vmem_shared>> -> memref<640x128xf32, #tpu.memory_space<vmem_shared>>
      tpu.wait_dma2 semaphore(%run_scoped3A : memref<!tpu.dma_semaphore, #tpu.memory_space<semaphore_mem>>) src(%dma_wait3A_24 : memref<640x128xf32, #tpu.memory_space<vmem_shared>>) dst(%dma_wait3A_22 : memref<640x128xf32, #tpu.memory_space<hbm>>)
      tpu.yield
    }) : () -> ()
    return
  }
}

#map = affine_map<(d0, d1) -> (0)>
#map1 = affine_map<(d0, d1) -> (0, 0)>
module attributes {stable_mosaic.version = 14 : i64} {
  func.func @_deg_body(%arg0: i32, %arg1: i32, %arg2: memref<323584xi32, #tpu.memory_space<hbm>>, %arg3: memref<128xf32, #tpu.memory_space<hbm>>, %arg4: memref<640xf32, #tpu.memory_space<hbm>>, %arg5: memref<2x10240xf32, #tpu.memory_space<hbm>>, %arg6: memref<128xf32, #tpu.memory_space<vmem>>, %arg7: memref<128xi32, #tpu.memory_space<vmem>>, %arg8: memref<10240xf32, #tpu.memory_space<vmem_shared>>) attributes {dimension_semantics = [#tpu.dimension_semantics<core_parallel>, #tpu.dimension_semantics<subcore_parallel>], iteration_bounds = array<i64: 2, 16>, scalar_prefetch = 0 : i64, scratch_operands = 3 : i64, tpu.core_type = #tpu.core_type<sc_vector_subcore>, window_params = [{transform_indices = #map}, {transform_indices = #map}, {transform_indices = #map}, {transform_indices = #map1}]} {
    %mul3A = arith.constant 16 : i32
    %mul3A_0 = arith.muli %arg0, %mul3A : i32
    %add3A = arith.addi %mul3A_0, %arg1 : i32
    %mul3A_1 = arith.constant 640 : i32
    %mul3A_2 = arith.muli %arg1, %mul3A_1 : i32
    "tpu.region"() ({
      %run_scoped3A = tpu.sem_alloc : memref<!tpu.dma_semaphore, #tpu.memory_space<semaphore_mem>>
      %dma_start3A = tpu.memref_slice %arg8[%mul3A_2] : memref<10240xf32, #tpu.memory_space<vmem_shared>> -> memref<640xf32, #tpu.memory_space<vmem_shared>>
      tpu.enqueue_dma source(%arg4 : memref<640xf32, #tpu.memory_space<hbm>>) target(%dma_start3A : memref<640xf32, #tpu.memory_space<vmem_shared>>) target_semaphore(%run_scoped3A : memref<!tpu.dma_semaphore, #tpu.memory_space<semaphore_mem>>)
      %dma_wait3A = tpu.memref_slice %arg8[%mul3A_2] : memref<10240xf32, #tpu.memory_space<vmem_shared>> -> memref<640xf32, #tpu.memory_space<vmem_shared>>
      tpu.wait_dma2 semaphore(%run_scoped3A : memref<!tpu.dma_semaphore, #tpu.memory_space<semaphore_mem>>) src(%arg4 : memref<640xf32, #tpu.memory_space<hbm>>) dst(%dma_wait3A : memref<640xf32, #tpu.memory_space<vmem_shared>>)
      tpu.yield
    }) : () -> ()
    "tpu.region"() ({
      %run_scoped3A = tpu.sem_alloc : memref<!tpu.dma_semaphore, #tpu.memory_space<semaphore_mem>>
      tpu.enqueue_dma source(%arg3 : memref<128xf32, #tpu.memory_space<hbm>>) target(%arg6 : memref<128xf32, #tpu.memory_space<vmem>>) target_semaphore(%run_scoped3A : memref<!tpu.dma_semaphore, #tpu.memory_space<semaphore_mem>>)
      tpu.wait_dma2 semaphore(%run_scoped3A : memref<!tpu.dma_semaphore, #tpu.memory_space<semaphore_mem>>) src(%arg3 : memref<128xf32, #tpu.memory_space<hbm>>) dst(%arg6 : memref<128xf32, #tpu.memory_space<vmem>>)
      tpu.yield
    }) : () -> ()
    %barrier3A = arith.constant 0 : index
    tpu.barrier barrier_id(%barrier3A)
    %mul3A_3 = arith.constant 79 : i32
    %mul3A_4 = arith.muli %add3A, %mul3A_3 : i32
    %mul3A_5 = arith.constant 128 : i32
    %mul3A_6 = arith.muli %mul3A_4, %mul3A_5 : i32
    %scan3A = arith.constant 0 : i32
    %scan3A_7 = arith.constant 0 : i32
    %scan3A_8 = arith.constant 79 : i32
    %scan3A_9 = arith.addi %scan3A_7, %scan3A_8 : i32
    %scan3A_10 = arith.constant 1 : i32
    scf.for %scan3A_17 = %scan3A_7 to %scan3A_9 step %scan3A_10  : i32 {
      %mul3A_18 = arith.constant 128 : i32
      %mul3A_19 = arith.muli %scan3A_17, %mul3A_18 : i32
      %add3A_20 = arith.addi %mul3A_6, %mul3A_19 : i32
      %multiple_of3A = tpu.assume_multiple %add3A_20, 128 : i32
      "tpu.region"() ({
        %run_scoped3A = tpu.sem_alloc : memref<!tpu.dma_semaphore, #tpu.memory_space<semaphore_mem>>
        %dma_start3A = tpu.memref_slice %arg2[%multiple_of3A] : memref<323584xi32, #tpu.memory_space<hbm>> -> memref<128xi32, #tpu.memory_space<hbm>>
        %dma_start3A_21 = tpu.memref_slice %arg2[%multiple_of3A] : memref<323584xi32, #tpu.memory_space<hbm>> -> memref<128xi32, #tpu.memory_space<hbm>>
        tpu.enqueue_dma source(%dma_start3A_21 : memref<128xi32, #tpu.memory_space<hbm>>) target(%arg7 : memref<128xi32, #tpu.memory_space<vmem>>) target_semaphore(%run_scoped3A : memref<!tpu.dma_semaphore, #tpu.memory_space<semaphore_mem>>)
        %dma_wait3A = tpu.memref_slice %arg2[%multiple_of3A] : memref<323584xi32, #tpu.memory_space<hbm>> -> memref<128xi32, #tpu.memory_space<hbm>>
        %dma_wait3A_22 = tpu.memref_slice %arg2[%multiple_of3A] : memref<323584xi32, #tpu.memory_space<hbm>> -> memref<128xi32, #tpu.memory_space<hbm>>
        tpu.wait_dma2 semaphore(%run_scoped3A : memref<!tpu.dma_semaphore, #tpu.memory_space<semaphore_mem>>) src(%dma_wait3A_22 : memref<128xi32, #tpu.memory_space<hbm>>) dst(%arg7 : memref<128xi32, #tpu.memory_space<vmem>>)
        tpu.yield
      }) : () -> ()
      "tpu.region"() ({
        %run_scoped3A = tpu.sem_alloc : memref<!tpu.dma_semaphore, #tpu.memory_space<semaphore_mem>>
        %dma_start3A = arith.constant 0 : i32
        %dma_start3A_21 = tpu.memref_slice %arg8[%dma_start3A] : memref<10240xf32, #tpu.memory_space<vmem_shared>> -> memref<10240xf32, #tpu.memory_space<vmem_shared>>
        tpu.enqueue_indirect_dma source(%arg6 : memref<128xf32, #tpu.memory_space<vmem>>) target(%dma_start3A_21 : memref<10240xf32, #tpu.memory_space<vmem_shared>>) offsets(%arg7 : memref<128xi32, #tpu.memory_space<vmem>>) semaphore(%run_scoped3A : memref<!tpu.dma_semaphore, #tpu.memory_space<semaphore_mem>>) {add = true}
        %dma_wait3A = arith.constant 0 : i32
        %dma_wait3A_22 = tpu.memref_slice %arg8[%dma_wait3A] : memref<10240xf32, #tpu.memory_space<vmem_shared>> -> memref<10240xf32, #tpu.memory_space<vmem_shared>>
        tpu.wait_indirect_dma semaphore(%run_scoped3A : memref<!tpu.dma_semaphore, #tpu.memory_space<semaphore_mem>>) src(%arg6 : memref<128xf32, #tpu.memory_space<vmem>>) dst(%dma_wait3A_22 : memref<10240xf32, #tpu.memory_space<vmem_shared>>)
        tpu.yield
      }) : () -> ()
    }
    %scan3A_11 = arith.constant 79 : i32
    %barrier3A_12 = arith.constant 0 : index
    tpu.barrier barrier_id(%barrier3A_12)
    %mul3A_13 = arith.constant 640 : i32
    %mul3A_14 = arith.muli %arg1, %mul3A_13 : i32
    %mul3A_15 = arith.constant 640 : i32
    %mul3A_16 = arith.muli %arg1, %mul3A_15 : i32
    "tpu.region"() ({
      %run_scoped3A = tpu.sem_alloc : memref<!tpu.dma_semaphore, #tpu.memory_space<semaphore_mem>>
      %dma_start3A = tpu.memref_slice %arg5[%arg0, %mul3A_16] : memref<2x10240xf32, #tpu.memory_space<hbm>> -> memref<1x640xf32, #tpu.memory_space<hbm>>
      %dma_start3A_17 = tpu.memref_squeeze %dma_start3A : memref<1x640xf32, #tpu.memory_space<hbm>> -> memref<640xf32, #tpu.memory_space<hbm>>
      %dma_start3A_18 = tpu.memref_slice %arg8[%mul3A_14] : memref<10240xf32, #tpu.memory_space<vmem_shared>> -> memref<640xf32, #tpu.memory_space<vmem_shared>>
      tpu.enqueue_dma source(%dma_start3A_18 : memref<640xf32, #tpu.memory_space<vmem_shared>>) target(%dma_start3A_17 : memref<640xf32, #tpu.memory_space<hbm>>) target_semaphore(%run_scoped3A : memref<!tpu.dma_semaphore, #tpu.memory_space<semaphore_mem>>)
      %dma_wait3A = tpu.memref_slice %arg5[%arg0, %mul3A_16] : memref<2x10240xf32, #tpu.memory_space<hbm>> -> memref<1x640xf32, #tpu.memory_space<hbm>>
      %dma_wait3A_19 = tpu.memref_squeeze %dma_wait3A : memref<1x640xf32, #tpu.memory_space<hbm>> -> memref<640xf32, #tpu.memory_space<hbm>>
      %dma_wait3A_20 = tpu.memref_slice %arg8[%mul3A_14] : memref<10240xf32, #tpu.memory_space<vmem_shared>> -> memref<640xf32, #tpu.memory_space<vmem_shared>>
      tpu.wait_dma2 semaphore(%run_scoped3A : memref<!tpu.dma_semaphore, #tpu.memory_space<semaphore_mem>>) src(%dma_wait3A_20 : memref<640xf32, #tpu.memory_space<vmem_shared>>) dst(%dma_wait3A_19 : memref<640xf32, #tpu.memory_space<hbm>>)
      tpu.yield
    }) : () -> ()
    return
  }
}

#map = affine_map<(d0, d1) -> (0, 0)>
#map1 = affine_map<(d0, d1) -> (0)>
#map2 = affine_map<(d0, d1) -> (0, 0, 0)>
module attributes {stable_mosaic.version = 14 : i64} {
  func.func @segsum(%arg0: i32, %arg1: i32, %arg2: memref<10240x128xf32, #tpu.memory_space<hbm>>, %arg3: memref<323584xi32, #tpu.memory_space<hbm>>, %arg4: memref<323584xi32, #tpu.memory_space<hbm>>, %arg5: memref<640x128xf32, #tpu.memory_space<hbm>>, %arg6: memref<2x10240x128xf32, #tpu.memory_space<hbm>>, %arg7: memref<128xi32, #tpu.memory_space<vmem>>, %arg8: memref<128xi32, #tpu.memory_space<vmem>>, %arg9: memref<128x128xf32, #tpu.memory_space<vmem>>, %arg10: memref<10240x128xf32, #tpu.memory_space<vmem_shared>>, %arg11: memref<!tpu.dma_semaphore, #tpu.memory_space<semaphore_mem>>) attributes {dimension_semantics = [#tpu.dimension_semantics<core_parallel>, #tpu.dimension_semantics<subcore_parallel>], iteration_bounds = array<i64: 2, 16>, scalar_prefetch = 0 : i64, scratch_operands = 5 : i64, tpu.core_type = #tpu.core_type<sc_vector_subcore>, window_params = [{transform_indices = #map}, {transform_indices = #map1}, {transform_indices = #map1}, {transform_indices = #map}, {transform_indices = #map2}]} {
    %mul3A = arith.constant 16 : i32
    %mul3A_0 = arith.muli %arg0, %mul3A : i32
    %add3A = arith.addi %mul3A_0, %arg1 : i32
    %mul3A_1 = arith.constant 640 : i32
    %mul3A_2 = arith.muli %arg1, %mul3A_1 : i32
    "tpu.region"() ({
      %run_scoped3A = tpu.sem_alloc : memref<!tpu.dma_semaphore, #tpu.memory_space<semaphore_mem>>
      %dma_start3A = arith.constant 0 : i32
      %dma_start3A_17 = tpu.memref_slice %arg10[%mul3A_2, %dma_start3A] : memref<10240x128xf32, #tpu.memory_space<vmem_shared>> -> memref<640x128xf32, #tpu.memory_space<vmem_shared>>
      tpu.enqueue_dma source(%arg5 : memref<640x128xf32, #tpu.memory_space<hbm>>) target(%dma_start3A_17 : memref<640x128xf32, #tpu.memory_space<vmem_shared>>) target_semaphore(%run_scoped3A : memref<!tpu.dma_semaphore, #tpu.memory_space<semaphore_mem>>)
      %dma_wait3A = arith.constant 0 : i32
      %dma_wait3A_18 = tpu.memref_slice %arg10[%mul3A_2, %dma_wait3A] : memref<10240x128xf32, #tpu.memory_space<vmem_shared>> -> memref<640x128xf32, #tpu.memory_space<vmem_shared>>
      tpu.wait_dma2 semaphore(%run_scoped3A : memref<!tpu.dma_semaphore, #tpu.memory_space<semaphore_mem>>) src(%arg5 : memref<640x128xf32, #tpu.memory_space<hbm>>) dst(%dma_wait3A_18 : memref<640x128xf32, #tpu.memory_space<vmem_shared>>)
      tpu.yield
    }) : () -> ()
    %barrier3A = arith.constant 0 : index
    tpu.barrier barrier_id(%barrier3A)
    %mul3A_3 = arith.constant 79 : i32
    %mul3A_4 = arith.muli %add3A, %mul3A_3 : i32
    %mul3A_5 = arith.constant 128 : i32
    %mul3A_6 = arith.muli %mul3A_4, %mul3A_5 : i32
    %scan3A = arith.constant 0 : i32
    %scan3A_7 = arith.constant 0 : i32
    %scan3A_8 = arith.constant 79 : i32
    %scan3A_9 = arith.addi %scan3A_7, %scan3A_8 : i32
    %scan3A_10 = arith.constant 1 : i32
    scf.for %scan3A_17 = %scan3A_7 to %scan3A_9 step %scan3A_10  : i32 {
      %mul3A_18 = arith.constant 128 : i32
      %mul3A_19 = arith.muli %scan3A_17, %mul3A_18 : i32
      %add3A_20 = arith.addi %mul3A_6, %mul3A_19 : i32
      %multiple_of3A = tpu.assume_multiple %add3A_20, 128 : i32
      "tpu.region"() ({
        %run_scoped3A = tpu.sem_alloc : memref<!tpu.dma_semaphore, #tpu.memory_space<semaphore_mem>>
        %dma_start3A_25 = tpu.memref_slice %arg3[%multiple_of3A] : memref<323584xi32, #tpu.memory_space<hbm>> -> memref<128xi32, #tpu.memory_space<hbm>>
        %dma_start3A_26 = tpu.memref_slice %arg3[%multiple_of3A] : memref<323584xi32, #tpu.memory_space<hbm>> -> memref<128xi32, #tpu.memory_space<hbm>>
        tpu.enqueue_dma source(%dma_start3A_26 : memref<128xi32, #tpu.memory_space<hbm>>) target(%arg7 : memref<128xi32, #tpu.memory_space<vmem>>) target_semaphore(%run_scoped3A : memref<!tpu.dma_semaphore, #tpu.memory_space<semaphore_mem>>)
        %dma_wait3A_27 = tpu.memref_slice %arg3[%multiple_of3A] : memref<323584xi32, #tpu.memory_space<hbm>> -> memref<128xi32, #tpu.memory_space<hbm>>
        %dma_wait3A_28 = tpu.memref_slice %arg3[%multiple_of3A] : memref<323584xi32, #tpu.memory_space<hbm>> -> memref<128xi32, #tpu.memory_space<hbm>>
        tpu.wait_dma2 semaphore(%run_scoped3A : memref<!tpu.dma_semaphore, #tpu.memory_space<semaphore_mem>>) src(%dma_wait3A_28 : memref<128xi32, #tpu.memory_space<hbm>>) dst(%arg7 : memref<128xi32, #tpu.memory_space<vmem>>)
        tpu.yield
      }) : () -> ()
      %dma_start3A = arith.constant 0 : i32
      %dma_start3A_21 = arith.constant 0 : i32
      %dma_start3A_22 = tpu.memref_slice %arg2[%dma_start3A, %dma_start3A_21] : memref<10240x128xf32, #tpu.memory_space<hbm>> -> memref<10240x128xf32, #tpu.memory_space<hbm>>
      tpu.enqueue_indirect_dma source(%dma_start3A_22 : memref<10240x128xf32, #tpu.memory_space<hbm>>) target(%arg9 : memref<128x128xf32, #tpu.memory_space<vmem>>) offsets(%arg7 : memref<128xi32, #tpu.memory_space<vmem>>) semaphore(%arg11 : memref<!tpu.dma_semaphore, #tpu.memory_space<semaphore_mem>>)
      %dma_wait3A = arith.constant 0 : i32
      %dma_wait3A_23 = arith.constant 0 : i32
      %dma_wait3A_24 = tpu.memref_slice %arg2[%dma_wait3A, %dma_wait3A_23] : memref<10240x128xf32, #tpu.memory_space<hbm>> -> memref<10240x128xf32, #tpu.memory_space<hbm>>
      tpu.wait_indirect_dma semaphore(%arg11 : memref<!tpu.dma_semaphore, #tpu.memory_space<semaphore_mem>>) src(%dma_wait3A_24 : memref<10240x128xf32, #tpu.memory_space<hbm>>) dst(%arg9 : memref<128x128xf32, #tpu.memory_space<vmem>>)
      "tpu.region"() ({
        %run_scoped3A = tpu.sem_alloc : memref<!tpu.dma_semaphore, #tpu.memory_space<semaphore_mem>>
        %dma_start3A_25 = tpu.memref_slice %arg4[%multiple_of3A] : memref<323584xi32, #tpu.memory_space<hbm>> -> memref<128xi32, #tpu.memory_space<hbm>>
        %dma_start3A_26 = tpu.memref_slice %arg4[%multiple_of3A] : memref<323584xi32, #tpu.memory_space<hbm>> -> memref<128xi32, #tpu.memory_space<hbm>>
        tpu.enqueue_dma source(%dma_start3A_26 : memref<128xi32, #tpu.memory_space<hbm>>) target(%arg8 : memref<128xi32, #tpu.memory_space<vmem>>) target_semaphore(%run_scoped3A : memref<!tpu.dma_semaphore, #tpu.memory_space<semaphore_mem>>)
        %dma_wait3A_27 = tpu.memref_slice %arg4[%multiple_of3A] : memref<323584xi32, #tpu.memory_space<hbm>> -> memref<128xi32, #tpu.memory_space<hbm>>
        %dma_wait3A_28 = tpu.memref_slice %arg4[%multiple_of3A] : memref<323584xi32, #tpu.memory_space<hbm>> -> memref<128xi32, #tpu.memory_space<hbm>>
        tpu.wait_dma2 semaphore(%run_scoped3A : memref<!tpu.dma_semaphore, #tpu.memory_space<semaphore_mem>>) src(%dma_wait3A_28 : memref<128xi32, #tpu.memory_space<hbm>>) dst(%arg8 : memref<128xi32, #tpu.memory_space<vmem>>)
        tpu.yield
      }) : () -> ()
      "tpu.region"() ({
        %run_scoped3A = tpu.sem_alloc : memref<!tpu.dma_semaphore, #tpu.memory_space<semaphore_mem>>
        %dma_start3A_25 = arith.constant 0 : i32
        %dma_start3A_26 = arith.constant 0 : i32
        %dma_start3A_27 = tpu.memref_slice %arg10[%dma_start3A_25, %dma_start3A_26] : memref<10240x128xf32, #tpu.memory_space<vmem_shared>> -> memref<10240x128xf32, #tpu.memory_space<vmem_shared>>
        tpu.enqueue_indirect_dma source(%arg9 : memref<128x128xf32, #tpu.memory_space<vmem>>) target(%dma_start3A_27 : memref<10240x128xf32, #tpu.memory_space<vmem_shared>>) offsets(%arg8 : memref<128xi32, #tpu.memory_space<vmem>>) semaphore(%run_scoped3A : memref<!tpu.dma_semaphore, #tpu.memory_space<semaphore_mem>>) {add = true}
        %dma_wait3A_28 = arith.constant 0 : i32
        %dma_wait3A_29 = arith.constant 0 : i32
        %dma_wait3A_30 = tpu.memref_slice %arg10[%dma_wait3A_28, %dma_wait3A_29] : memref<10240x128xf32, #tpu.memory_space<vmem_shared>> -> memref<10240x128xf32, #tpu.memory_space<vmem_shared>>
        tpu.wait_indirect_dma semaphore(%run_scoped3A : memref<!tpu.dma_semaphore, #tpu.memory_space<semaphore_mem>>) src(%arg9 : memref<128x128xf32, #tpu.memory_space<vmem>>) dst(%dma_wait3A_30 : memref<10240x128xf32, #tpu.memory_space<vmem_shared>>)
        tpu.yield
      }) : () -> ()
    }
    %scan3A_11 = arith.constant 79 : i32
    %barrier3A_12 = arith.constant 0 : index
    tpu.barrier barrier_id(%barrier3A_12)
    %mul3A_13 = arith.constant 640 : i32
    %mul3A_14 = arith.muli %arg1, %mul3A_13 : i32
    %mul3A_15 = arith.constant 640 : i32
    %mul3A_16 = arith.muli %arg1, %mul3A_15 : i32
    "tpu.region"() ({
      %run_scoped3A = tpu.sem_alloc : memref<!tpu.dma_semaphore, #tpu.memory_space<semaphore_mem>>
      %dma_start3A = arith.constant 0 : i32
      %dma_start3A_17 = tpu.memref_slice %arg6[%arg0, %mul3A_16, %dma_start3A] : memref<2x10240x128xf32, #tpu.memory_space<hbm>> -> memref<1x640x128xf32, #tpu.memory_space<hbm>>
      %dma_start3A_18 = tpu.memref_squeeze %dma_start3A_17 : memref<1x640x128xf32, #tpu.memory_space<hbm>> -> memref<640x128xf32, #tpu.memory_space<hbm>>
      %dma_start3A_19 = arith.constant 0 : i32
      %dma_start3A_20 = tpu.memref_slice %arg10[%mul3A_14, %dma_start3A_19] : memref<10240x128xf32, #tpu.memory_space<vmem_shared>> -> memref<640x128xf32, #tpu.memory_space<vmem_shared>>
      tpu.enqueue_dma source(%dma_start3A_20 : memref<640x128xf32, #tpu.memory_space<vmem_shared>>) target(%dma_start3A_18 : memref<640x128xf32, #tpu.memory_space<hbm>>) target_semaphore(%run_scoped3A : memref<!tpu.dma_semaphore, #tpu.memory_space<semaphore_mem>>)
      %dma_wait3A = arith.constant 0 : i32
      %dma_wait3A_21 = tpu.memref_slice %arg6[%arg0, %mul3A_16, %dma_wait3A] : memref<2x10240x128xf32, #tpu.memory_space<hbm>> -> memref<1x640x128xf32, #tpu.memory_space<hbm>>
      %dma_wait3A_22 = tpu.memref_squeeze %dma_wait3A_21 : memref<1x640x128xf32, #tpu.memory_space<hbm>> -> memref<640x128xf32, #tpu.memory_space<hbm>>
      %dma_wait3A_23 = arith.constant 0 : i32
      %dma_wait3A_24 = tpu.memref_slice %arg10[%mul3A_14, %dma_wait3A_23] : memref<10240x128xf32, #tpu.memory_space<vmem_shared>> -> memref<640x128xf32, #tpu.memory_space<vmem_shared>>
      tpu.wait_dma2 semaphore(%run_scoped3A : memref<!tpu.dma_semaphore, #tpu.memory_space<semaphore_mem>>) src(%dma_wait3A_24 : memref<640x128xf32, #tpu.memory_space<vmem_shared>>) dst(%dma_wait3A_22 : memref<640x128xf32, #tpu.memory_space<hbm>>)
      tpu.yield
    }) : () -> ()
    return
  }
}

module attributes {stable_mosaic.version = 14 : i64} {
  func.func @_gru_body(%arg0: i32, %arg1: memref<16x512x128xf32, #tpu.memory_space<vmem>>, %arg2: memref<512x128xf32, #tpu.memory_space<vmem>>, %arg3: memref<128x384xf32, #tpu.memory_space<vmem>>, %arg4: memref<128x384xf32, #tpu.memory_space<vmem>>, %arg5: memref<1x384xf32, #tpu.memory_space<vmem>>, %arg6: memref<1x384xf32, #tpu.memory_space<vmem>>, %arg7: memref<512x128xf32, #tpu.memory_space<vmem>>, %arg8: memref<16x512x384xf32, #tpu.memory_space<vmem>>) attributes {dimension_semantics = [#tpu.dimension_semantics<arbitrary>], iteration_bounds = array<i64: 20>, scalar_prefetch = 0 : i64, scratch_operands = 1 : i64, tpu.core_type = #tpu.core_type<tc>, window_params = [{transform_indices = @transform_0, window_bounds = array<i64: 16, 512, 128>}, {transform_indices = @transform_1, window_bounds = array<i64: 512, 128>}, {pipeline_mode = #tpu.pipeline_mode<synchronous>, transform_indices = @transform_2, window_bounds = array<i64: 128, 384>}, {pipeline_mode = #tpu.pipeline_mode<synchronous>, transform_indices = @transform_3, window_bounds = array<i64: 128, 384>}, {pipeline_mode = #tpu.pipeline_mode<synchronous>, transform_indices = @transform_4, window_bounds = array<i64: 1, 384>}, {pipeline_mode = #tpu.pipeline_mode<synchronous>, transform_indices = @transform_5, window_bounds = array<i64: 1, 384>}, {transform_indices = @transform_6, window_bounds = array<i64: 512, 128>}]} {
    %get3A = arith.constant 0 : index
    %get3A_0 = arith.constant 0 : index
    %get3A_1 = arith.constant 0 : index
    %get3A_2 = vector.load %arg1[%get3A, %get3A_0, %get3A_1] : memref<16x512x128xf32, #tpu.memory_space<vmem>>, vector<16x512x128xf32>
    %reshape3A = vector.shape_cast %get3A_2 : vector<16x512x128xf32> to vector<8192x128xf32>
    %get3A_3 = arith.constant 0 : index
    %get3A_4 = arith.constant 0 : index
    %get3A_5 = vector.load %arg3[%get3A_3, %get3A_4] : memref<128x384xf32, #tpu.memory_space<vmem>>, vector<128x384xf32>
    %dot_general3A = arith.constant dense<0.000000e+00> : vector<8192x384xf32>
    %dot_general3A_6 = tpu.matmul %reshape3A, %get3A_5, %dot_general3A {dimension_numbers = #tpu.dot_dimension_numbers<[1], [0], [0], [1], [0, 0, 1, 1], [], []>, transpose_lhs_hint = false} : vector<8192x128xf32>, vector<128x384xf32>, vector<8192x384xf32> -> vector<8192x384xf32>
    %get3A_7 = arith.constant 0 : index
    %get3A_8 = arith.constant 0 : index
    %get3A_9 = vector.load %arg5[%get3A_7, %get3A_8] : memref<1x384xf32, #tpu.memory_space<vmem>>, vector<1x384xf32>
    %add3A = vector.broadcast %get3A_9 : vector<1x384xf32> to vector<8192x384xf32>
    %add3A_10 = arith.addf %dot_general3A_6, %add3A : vector<8192x384xf32>
    %reshape3A_11 = vector.shape_cast %add3A_10 : vector<8192x384xf32> to vector<16x512x384xf32>
    %swap3A = arith.constant 0 : index
    %swap3A_12 = arith.constant 0 : index
    %swap3A_13 = arith.constant 0 : index
    %swap3A_14 = vector.load %arg8[%swap3A, %swap3A_12, %swap3A_13] : memref<16x512x384xf32, #tpu.memory_space<vmem>>, vector<16x512x384xf32>
    tpu.vector_store %arg8[%swap3A, %swap3A_12, %swap3A_13], %reshape3A_11 {strides = array<i32>} : memref<16x512x384xf32, #tpu.memory_space<vmem>>, vector<16x512x384xf32>,
    %get3A_15 = arith.constant 0 : index
    %get3A_16 = arith.constant 0 : index
    %get3A_17 = vector.load %arg4[%get3A_15, %get3A_16] : memref<128x384xf32, #tpu.memory_space<vmem>>, vector<128x384xf32>
    %get3A_18 = arith.constant 0 : index
    %get3A_19 = arith.constant 0 : index
    %get3A_20 = vector.load %arg6[%get3A_18, %get3A_19] : memref<1x384xf32, #tpu.memory_space<vmem>>, vector<1x384xf32>
    %get3A_21 = arith.constant 0 : index
    %get3A_22 = arith.constant 0 : index
    %get3A_23 = vector.load %arg2[%get3A_21, %get3A_22] : memref<512x128xf32, #tpu.memory_space<vmem>>, vector<512x128xf32>
    %scan3A = arith.constant 0 : i32
    %scan3A_24 = arith.constant 16 : i32
    %scan3A_25 = arith.addi %scan3A, %scan3A_24 : i32
    %scan3A_26 = arith.constant 1 : i32
    %scan3A_27 = scf.for %scan3A_32 = %scan3A to %scan3A_25 step %scan3A_26 iter_args(%scan3A_33 = %get3A_23) -> (vector<512x128xf32>)  : i32 {
      %get3A_34 = arith.index_cast %scan3A_32 : i32 to index
      %get3A_35 = arith.constant 0 : index
      %get3A_36 = arith.constant 0 : index
      %get3A_37 = vector.load %arg8[%get3A_34, %get3A_35, %get3A_36] : memref<16x512x384xf32, #tpu.memory_space<vmem>>, vector<1x512x384xf32>
      %get3A_38 = vector.shape_cast %get3A_37 : vector<1x512x384xf32> to vector<512x384xf32>
      %dot_general3A_39 = arith.constant dense<0.000000e+00> : vector<512x384xf32>
      %dot_general3A_40 = tpu.matmul %scan3A_33, %get3A_17, %dot_general3A_39 {dimension_numbers = #tpu.dot_dimension_numbers<[1], [0], [0], [1], [0, 0, 1, 1], [], []>, transpose_lhs_hint = false} : vector<512x128xf32>, vector<128x384xf32>, vector<512x384xf32> -> vector<512x384xf32>
      %add3A_41 = vector.broadcast %get3A_20 : vector<1x384xf32> to vector<512x384xf32>
      %add3A_42 = arith.addf %dot_general3A_40, %add3A_41 : vector<512x384xf32>
      %slice3A = vector.extract_strided_slice %get3A_38 {offsets = [0, 0], sizes = [512, 128], strides = [1, 1]} : vector<512x384xf32> to vector<512x128xf32>
      %slice3A_43 = vector.extract_strided_slice %add3A_42 {offsets = [0, 0], sizes = [512, 128], strides = [1, 1]} : vector<512x384xf32> to vector<512x128xf32>
      %add3A_44 = arith.addf %slice3A, %slice3A_43 : vector<512x128xf32>
      %logistic3A = arith.negf %add3A_44 : vector<512x128xf32>
      %logistic3A_45 = math.exp %logistic3A : vector<512x128xf32>
      %logistic3A_46 = arith.constant 1.000000e+00 : f32
      %logistic3A_47 = vector.broadcast %logistic3A_46 : f32 to vector<512x128xf32>
      %logistic3A_48 = arith.addf %logistic3A_47, %logistic3A_45 : vector<512x128xf32>
      %logistic3A_49 = arith.divf %logistic3A_47, %logistic3A_48 : vector<512x128xf32>
      %slice3A_50 = vector.extract_strided_slice %get3A_38 {offsets = [0, 128], sizes = [512, 128], strides = [1, 1]} : vector<512x384xf32> to vector<512x128xf32>
      %slice3A_51 = vector.extract_strided_slice %add3A_42 {offsets = [0, 128], sizes = [512, 128], strides = [1, 1]} : vector<512x384xf32> to vector<512x128xf32>
      %add3A_52 = arith.addf %slice3A_50, %slice3A_51 : vector<512x128xf32>
      %logistic3A_53 = arith.negf %add3A_52 : vector<512x128xf32>
      %logistic3A_54 = math.exp %logistic3A_53 : vector<512x128xf32>
      %logistic3A_55 = arith.constant 1.000000e+00 : f32
      %logistic3A_56 = vector.broadcast %logistic3A_55 : f32 to vector<512x128xf32>
      %logistic3A_57 = arith.addf %logistic3A_56, %logistic3A_54 : vector<512x128xf32>
      %logistic3A_58 = arith.divf %logistic3A_56, %logistic3A_57 : vector<512x128xf32>
      %slice3A_59 = vector.extract_strided_slice %get3A_38 {offsets = [0, 256], sizes = [512, 128], strides = [1, 1]} : vector<512x384xf32> to vector<512x128xf32>
      %slice3A_60 = vector.extract_strided_slice %add3A_42 {offsets = [0, 256], sizes = [512, 128], strides = [1, 1]} : vector<512x384xf32> to vector<512x128xf32>
      %mul3A = arith.mulf %logistic3A_49, %slice3A_60 : vector<512x128xf32>
      %add3A_61 = arith.addf %slice3A_59, %mul3A : vector<512x128xf32>
      %tanh3A = math.tanh %add3A_61 : vector<512x128xf32>
      %sub3A = arith.subf %scan3A_33, %tanh3A : vector<512x128xf32>
      %mul3A_62 = arith.mulf %logistic3A_58, %sub3A : vector<512x128xf32>
      %add3A_63 = arith.addf %tanh3A, %mul3A_62 : vector<512x128xf32>
      scf.yield %add3A_63 : vector<512x128xf32>
    }
    %scan3A_28 = arith.constant 16 : i32
    %swap3A_29 = arith.constant 0 : index
    %swap3A_30 = arith.constant 0 : index
    %swap3A_31 = vector.load %arg7[%swap3A_29, %swap3A_30] : memref<512x128xf32, #tpu.memory_space<vmem>>, vector<512x128xf32>
    tpu.vector_store %arg7[%swap3A_29, %swap3A_30], %scan3A_27 {strides = array<i32>} : memref<512x128xf32, #tpu.memory_space<vmem>>, vector<512x128xf32>,
    return
  }
  func.func @transform_0(%arg0: i32) -> (i32, i32, i32) {
    %c0_i32 = arith.constant 0 : i32
    %c0_i32_0 = arith.constant 0 : i32
    %c0_i32_1 = arith.constant 0 : i32
    return %c0_i32, %arg0, %c0_i32_0 : i32, i32, i32
  }
  func.func @transform_1(%arg0: i32) -> (i32, i32) {
    %c0_i32 = arith.constant 0 : i32
    %c0_i32_0 = arith.constant 0 : i32
    return %arg0, %c0_i32 : i32, i32
  }
  func.func @transform_2(%arg0: i32) -> (i32, i32) {
    %c0_i32 = arith.constant 0 : i32
    %c0_i32_0 = arith.constant 0 : i32
    %c0_i32_1 = arith.constant 0 : i32
    return %c0_i32, %c0_i32_0 : i32, i32
  }
  func.func @transform_3(%arg0: i32) -> (i32, i32) {
    %c0_i32 = arith.constant 0 : i32
    %c0_i32_0 = arith.constant 0 : i32
    %c0_i32_1 = arith.constant 0 : i32
    return %c0_i32, %c0_i32_0 : i32, i32
  }
  func.func @transform_4(%arg0: i32) -> (i32, i32) {
    %c0_i32 = arith.constant 0 : i32
    %c0_i32_0 = arith.constant 0 : i32
    %c0_i32_1 = arith.constant 0 : i32
    return %c0_i32, %c0_i32_0 : i32, i32
  }
  func.func @transform_5(%arg0: i32) -> (i32, i32) {
    %c0_i32 = arith.constant 0 : i32
    %c0_i32_0 = arith.constant 0 : i32
    %c0_i32_1 = arith.constant 0 : i32
    return %c0_i32, %c0_i32_0 : i32, i32
  }
  func.func @transform_6(%arg0: i32) -> (i32, i32) {
    %c0_i32 = arith.constant 0 : i32
    %c0_i32_0 = arith.constant 0 : i32
    return %arg0, %c0_i32 : i32, i32
  }
}

module attributes {stable_mosaic.version = 14 : i64} {
  func.func @_stage_d_body(%arg0: i32, %arg1: memref<1024x128xf32, #tpu.memory_space<vmem>>, %arg2: memref<128x128xf32, #tpu.memory_space<vmem>>, %arg3: memref<1024x128xf32, #tpu.memory_space<vmem>>, %arg4: memref<1024x128xf32, #tpu.memory_space<vmem>>, %arg5: memref<1024x128xf32, #tpu.memory_space<vmem>>) attributes {dimension_semantics = [#tpu.dimension_semantics<arbitrary>], iteration_bounds = array<i64: 10>, scalar_prefetch = 0 : i64, scratch_operands = 0 : i64, tpu.core_type = #tpu.core_type<tc>, window_params = [{transform_indices = @transform_0, window_bounds = array<i64: 1024, 128>}, {pipeline_mode = #tpu.pipeline_mode<synchronous>, transform_indices = @transform_1, window_bounds = array<i64: 128, 128>}, {transform_indices = @transform_2, window_bounds = array<i64: 1024, 128>}, {transform_indices = @transform_3, window_bounds = array<i64: 1024, 128>}, {transform_indices = @transform_4, window_bounds = array<i64: 1024, 128>}]} {
    %get3A = arith.constant 0 : index
    %get3A_0 = arith.constant 0 : index
    %get3A_1 = vector.load %arg1[%get3A, %get3A_0] : memref<1024x128xf32, #tpu.memory_space<vmem>>, vector<1024x128xf32>
    %get3A_2 = arith.constant 0 : index
    %get3A_3 = arith.constant 0 : index
    %get3A_4 = vector.load %arg2[%get3A_2, %get3A_3] : memref<128x128xf32, #tpu.memory_space<vmem>>, vector<128x128xf32>
    %dot_general3A = arith.constant dense<0.000000e+00> : vector<1024x128xf32>
    %dot_general3A_5 = tpu.matmul %get3A_1, %get3A_4, %dot_general3A {dimension_numbers = #tpu.dot_dimension_numbers<[1], [0], [0], [1], [0, 0, 1, 1], [], []>, transpose_lhs_hint = false} : vector<1024x128xf32>, vector<128x128xf32>, vector<1024x128xf32> -> vector<1024x128xf32>
    %swap3A = arith.constant 0 : index
    %swap3A_6 = arith.constant 0 : index
    %swap3A_7 = vector.load %arg4[%swap3A, %swap3A_6] : memref<1024x128xf32, #tpu.memory_space<vmem>>, vector<1024x128xf32>
    tpu.vector_store %arg4[%swap3A, %swap3A_6], %dot_general3A_5 {strides = array<i32>} : memref<1024x128xf32, #tpu.memory_space<vmem>>, vector<1024x128xf32>,
    %get3A_8 = arith.constant 0 : index
    %get3A_9 = arith.constant 0 : index
    %get3A_10 = vector.load %arg3[%get3A_8, %get3A_9] : memref<1024x128xf32, #tpu.memory_space<vmem>>, vector<1024x128xf32>
    %mul3A = arith.mulf %dot_general3A_5, %get3A_10 : vector<1024x128xf32>
    %swap3A_11 = arith.constant 0 : index
    %swap3A_12 = arith.constant 0 : index
    %swap3A_13 = vector.load %arg5[%swap3A_11, %swap3A_12] : memref<1024x128xf32, #tpu.memory_space<vmem>>, vector<1024x128xf32>
    tpu.vector_store %arg5[%swap3A_11, %swap3A_12], %mul3A {strides = array<i32>} : memref<1024x128xf32, #tpu.memory_space<vmem>>, vector<1024x128xf32>,
    return
  }
  func.func @transform_0(%arg0: i32) -> (i32, i32) {
    %c0_i32 = arith.constant 0 : i32
    %c0_i32_0 = arith.constant 0 : i32
    return %arg0, %c0_i32 : i32, i32
  }
  func.func @transform_1(%arg0: i32) -> (i32, i32) {
    %c0_i32 = arith.constant 0 : i32
    %c0_i32_0 = arith.constant 0 : i32
    %c0_i32_1 = arith.constant 0 : i32
    return %c0_i32, %c0_i32_0 : i32, i32
  }
  func.func @transform_2(%arg0: i32) -> (i32, i32) {
    %c0_i32 = arith.constant 0 : i32
    %c0_i32_0 = arith.constant 0 : i32
    return %arg0, %c0_i32 : i32, i32
  }
  func.func @transform_3(%arg0: i32) -> (i32, i32) {
    %c0_i32 = arith.constant 0 : i32
    %c0_i32_0 = arith.constant 0 : i32
    return %arg0, %c0_i32 : i32, i32
  }
  func.func @transform_4(%arg0: i32) -> (i32, i32) {
    %c0_i32 = arith.constant 0 : i32
    %c0_i32_0 = arith.constant 0 : i32
    return %arg0, %c0_i32 : i32, i32
  }
}

module attributes {stable_mosaic.version = 14 : i64} {
  func.func @_stage_f_body(%arg0: i32, %arg1: memref<1x1024x128xf32, #tpu.memory_space<vmem>>, %arg2: memref<1x1024x128xf32, #tpu.memory_space<vmem>>, %arg3: memref<1024x128xf32, #tpu.memory_space<vmem>>, %arg4: memref<1024x128xf32, #tpu.memory_space<vmem>>, %arg5: memref<1024x128xf32, #tpu.memory_space<vmem>>, %arg6: memref<128x128xf32, #tpu.memory_space<vmem>>, %arg7: memref<256x128xf32, #tpu.memory_space<vmem>>, %arg8: memref<1x128xf32, #tpu.memory_space<vmem>>, %arg9: memref<1024x128xf32, #tpu.memory_space<vmem>>, %arg10: memref<1024x128xf32, #tpu.memory_space<vmem>>, %arg11: memref<128x128xf32, #tpu.memory_space<vmem>>) attributes {dimension_semantics = [#tpu.dimension_semantics<arbitrary>], iteration_bounds = array<i64: 10>, scalar_prefetch = 0 : i64, scratch_operands = 0 : i64, tpu.core_type = #tpu.core_type<tc>, window_params = [{transform_indices = @transform_0, window_bounds = array<i64: 1, 1024, 128>}, {transform_indices = @transform_1, window_bounds = array<i64: 1, 1024, 128>}, {transform_indices = @transform_2, window_bounds = array<i64: 1024, 128>}, {transform_indices = @transform_3, window_bounds = array<i64: 1024, 128>}, {transform_indices = @transform_4, window_bounds = array<i64: 1024, 128>}, {pipeline_mode = #tpu.pipeline_mode<synchronous>, transform_indices = @transform_5, window_bounds = array<i64: 128, 128>}, {pipeline_mode = #tpu.pipeline_mode<synchronous>, transform_indices = @transform_6, window_bounds = array<i64: 256, 128>}, {pipeline_mode = #tpu.pipeline_mode<synchronous>, transform_indices = @transform_7, window_bounds = array<i64: 1, 128>}, {transform_indices = @transform_8, window_bounds = array<i64: 1024, 128>}, {transform_indices = @transform_9, window_bounds = array<i64: 1024, 128>}, {pipeline_mode = #tpu.pipeline_mode<synchronous>, transform_indices = @transform_10, window_bounds = array<i64: 128, 128>}]} {
    %get3A = arith.constant 0 : index
    %get3A_0 = arith.constant 0 : index
    %get3A_1 = vector.load %arg4[%get3A, %get3A_0] : memref<1024x128xf32, #tpu.memory_space<vmem>>, vector<1024x128xf32>
    %get3A_2 = arith.constant 0 : index
    %get3A_3 = arith.constant 0 : index
    %get3A_4 = arith.constant 0 : index
    %get3A_5 = vector.load %arg1[%get3A_2, %get3A_3, %get3A_4] : memref<1x1024x128xf32, #tpu.memory_space<vmem>>, vector<1x1024x128xf32>
    %get3A_6 = vector.shape_cast %get3A_5 : vector<1x1024x128xf32> to vector<1024x128xf32>
    %get3A_7 = arith.constant 0 : index
    %get3A_8 = arith.constant 0 : index
    %get3A_9 = arith.constant 0 : index
    %get3A_10 = vector.load %arg2[%get3A_7, %get3A_8, %get3A_9] : memref<1x1024x128xf32, #tpu.memory_space<vmem>>, vector<1x1024x128xf32>
    %get3A_11 = vector.shape_cast %get3A_10 : vector<1x1024x128xf32> to vector<1024x128xf32>
    %add3A = arith.addf %get3A_6, %get3A_11 : vector<1024x128xf32>
    %mul3A = arith.mulf %get3A_1, %add3A : vector<1024x128xf32>
    %mul3A_12 = arith.mulf %get3A_1, %get3A_1 : vector<1024x128xf32>
    %get3A_13 = arith.constant 0 : index
    %get3A_14 = arith.constant 0 : index
    %get3A_15 = vector.load %arg3[%get3A_13, %get3A_14] : memref<1024x128xf32, #tpu.memory_space<vmem>>, vector<1024x128xf32>
    %mul3A_16 = arith.mulf %mul3A_12, %get3A_15 : vector<1024x128xf32>
    %add3A_17 = arith.addf %mul3A, %mul3A_16 : vector<1024x128xf32>
    %get3A_18 = arith.constant 0 : index
    %get3A_19 = arith.constant 0 : index
    %get3A_20 = vector.load %arg8[%get3A_18, %get3A_19] : memref<1x128xf32, #tpu.memory_space<vmem>>, vector<1x128xf32>
    %add3A_21 = vector.broadcast %get3A_20 : vector<1x128xf32> to vector<1024x128xf32>
    %add3A_22 = arith.addf %add3A_17, %add3A_21 : vector<1024x128xf32>
    %get3A_23 = arith.constant 0 : index
    %get3A_24 = arith.constant 0 : index
    %get3A_25 = vector.load %arg5[%get3A_23, %get3A_24] : memref<1024x128xf32, #tpu.memory_space<vmem>>, vector<1024x128xf32>
    %get3A_26 = arith.constant 0 : index
    %get3A_27 = arith.constant 0 : index
    %get3A_28 = vector.load %arg6[%get3A_26, %get3A_27] : memref<128x128xf32, #tpu.memory_space<vmem>>, vector<128x128xf32>
    %dot_general3A = arith.constant dense<0.000000e+00> : vector<1024x128xf32>
    %dot_general3A_29 = tpu.matmul %get3A_25, %get3A_28, %dot_general3A {dimension_numbers = #tpu.dot_dimension_numbers<[1], [0], [0], [1], [0, 0, 1, 1], [], []>, transpose_lhs_hint = false} : vector<1024x128xf32>, vector<128x128xf32>, vector<1024x128xf32> -> vector<1024x128xf32>
    %concatenate3A = tpu.concatenate %add3A_22, %dot_general3A_29 in 1 : vector<1024x128xf32>, vector<1024x128xf32> -> vector<1024x256xf32>
    %max3A = arith.constant 0.000000e+00 : f32
    %max3A_30 = vector.broadcast %max3A : f32 to vector<1024x256xf32>
    %max3A_31 = arith.maximumf %concatenate3A, %max3A_30 : vector<1024x256xf32>
    %get3A_32 = arith.constant 0 : index
    %get3A_33 = arith.constant 0 : index
    %get3A_34 = vector.load %arg7[%get3A_32, %get3A_33] : memref<256x128xf32, #tpu.memory_space<vmem>>, vector<256x128xf32>
    %dot_general3A_35 = arith.constant dense<0.000000e+00> : vector<1024x128xf32>
    %dot_general3A_36 = tpu.matmul %max3A_31, %get3A_34, %dot_general3A_35 {dimension_numbers = #tpu.dot_dimension_numbers<[1], [0], [0], [1], [0, 0, 1, 1], [], []>, transpose_lhs_hint = false} : vector<1024x256xf32>, vector<256x128xf32>, vector<1024x128xf32> -> vector<1024x128xf32>
    %swap3A = arith.constant 0 : index
    %swap3A_37 = arith.constant 0 : index
    %swap3A_38 = vector.load %arg9[%swap3A, %swap3A_37] : memref<1024x128xf32, #tpu.memory_space<vmem>>, vector<1024x128xf32>
    tpu.vector_store %arg9[%swap3A, %swap3A_37], %dot_general3A_36 {strides = array<i32>} : memref<1024x128xf32, #tpu.memory_space<vmem>>, vector<1024x128xf32>,
    %mul3A_39 = arith.mulf %dot_general3A_36, %get3A_1 : vector<1024x128xf32>
    %swap3A_40 = arith.constant 0 : index
    %swap3A_41 = arith.constant 0 : index
    %swap3A_42 = vector.load %arg10[%swap3A_40, %swap3A_41] : memref<1024x128xf32, #tpu.memory_space<vmem>>, vector<1024x128xf32>
    tpu.vector_store %arg10[%swap3A_40, %swap3A_41], %mul3A_39 {strides = array<i32>} : memref<1024x128xf32, #tpu.memory_space<vmem>>, vector<1024x128xf32>,
    %eq3A = arith.constant 0 : i32
    %eq3A_43 = arith.cmpi eq, %arg0, %eq3A : i32
    %convert_element_type3A = arith.extui %eq3A_43 : i1 to i32
    %cond3A = arith.constant 0 : i32
    %cond3A_44 = arith.cmpi ne, %convert_element_type3A, %cond3A : i32
    scf.if %cond3A_44 {
      %slice3A = vector.extract_strided_slice %add3A_22 {offsets = [0, 0], sizes = [128, 128], strides = [1, 1]} : vector<1024x128xf32> to vector<128x128xf32>
      %swap3A_45 = arith.constant 0 : index
      %swap3A_46 = arith.constant 0 : index
      %swap3A_47 = vector.load %arg11[%swap3A_45, %swap3A_46] : memref<128x128xf32, #tpu.memory_space<vmem>>, vector<128x128xf32>
      tpu.vector_store %arg11[%swap3A_45, %swap3A_46], %slice3A {strides = array<i32>} : memref<128x128xf32, #tpu.memory_space<vmem>>, vector<128x128xf32>,
    } else {
    }
    return
  }
  func.func @transform_0(%arg0: i32) -> (i32, i32, i32) {
    %c0_i32 = arith.constant 0 : i32
    %c0_i32_0 = arith.constant 0 : i32
    %c0_i32_1 = arith.constant 0 : i32
    return %c0_i32, %arg0, %c0_i32_0 : i32, i32, i32
  }
  func.func @transform_1(%arg0: i32) -> (i32, i32, i32) {
    %c0_i32 = arith.constant 0 : i32
    %c0_i32_0 = arith.constant 0 : i32
    %c0_i32_1 = arith.constant 0 : i32
    return %c0_i32, %arg0, %c0_i32_0 : i32, i32, i32
  }
  func.func @transform_2(%arg0: i32) -> (i32, i32) {
    %c0_i32 = arith.constant 0 : i32
    %c0_i32_0 = arith.constant 0 : i32
    return %arg0, %c0_i32 : i32, i32
  }
  func.func @transform_3(%arg0: i32) -> (i32, i32) {
    %c0_i32 = arith.constant 0 : i32
    %c0_i32_0 = arith.constant 0 : i32
    return %arg0, %c0_i32 : i32, i32
  }
  func.func @transform_4(%arg0: i32) -> (i32, i32) {
    %c0_i32 = arith.constant 0 : i32
    %c0_i32_0 = arith.constant 0 : i32
    return %arg0, %c0_i32 : i32, i32
  }
  func.func @transform_5(%arg0: i32) -> (i32, i32) {
    %c0_i32 = arith.constant 0 : i32
    %c0_i32_0 = arith.constant 0 : i32
    %c0_i32_1 = arith.constant 0 : i32
    return %c0_i32, %c0_i32_0 : i32, i32
  }
  func.func @transform_6(%arg0: i32) -> (i32, i32) {
    %c0_i32 = arith.constant 0 : i32
    %c0_i32_0 = arith.constant 0 : i32
    %c0_i32_1 = arith.constant 0 : i32
    return %c0_i32, %c0_i32_0 : i32, i32
  }
  func.func @transform_7(%arg0: i32) -> (i32, i32) {
    %c0_i32 = arith.constant 0 : i32
    %c0_i32_0 = arith.constant 0 : i32
    %c0_i32_1 = arith.constant 0 : i32
    return %c0_i32, %c0_i32_0 : i32, i32
  }
  func.func @transform_8(%arg0: i32) -> (i32, i32) {
    %c0_i32 = arith.constant 0 : i32
    %c0_i32_0 = arith.constant 0 : i32
    return %arg0, %c0_i32 : i32, i32
  }
  func.func @transform_9(%arg0: i32) -> (i32, i32) {
    %c0_i32 = arith.constant 0 : i32
    %c0_i32_0 = arith.constant 0 : i32
    return %arg0, %c0_i32 : i32, i32
  }
  func.func @transform_10(%arg0: i32) -> (i32, i32) {
    %c0_i32 = arith.constant 0 : i32
    %c0_i32_0 = arith.constant 0 : i32
    %c0_i32_1 = arith.constant 0 : i32
    return %c0_i32, %c0_i32_0 : i32, i32
  }
}

module attributes {stable_mosaic.version = 14 : i64} {
  func.func @_stage_g_body(%arg0: i32, %arg1: memref<1x1024x128xf32, #tpu.memory_space<vmem>>, %arg2: memref<1x1024x128xf32, #tpu.memory_space<vmem>>, %arg3: memref<1024x128xf32, #tpu.memory_space<vmem>>, %arg4: memref<1024x128xf32, #tpu.memory_space<vmem>>, %arg5: memref<1024x128xf32, #tpu.memory_space<vmem>>, %arg6: memref<128x128xf32, #tpu.memory_space<vmem>>, %arg7: memref<256x128xf32, #tpu.memory_space<vmem>>, %arg8: memref<1x128xf32, #tpu.memory_space<vmem>>, %arg9: memref<1x128xf32, #tpu.memory_space<vmem>>, %arg10: memref<128x256xf32, #tpu.memory_space<vmem>>, %arg11: memref<128x128xf32, #tpu.memory_space<vmem>>, %arg12: memref<128x256xf32, #tpu.memory_space<vmem>>) attributes {dimension_semantics = [#tpu.dimension_semantics<arbitrary>], iteration_bounds = array<i64: 10>, scalar_prefetch = 0 : i64, scratch_operands = 1 : i64, tpu.core_type = #tpu.core_type<tc>, window_params = [{transform_indices = @transform_0, window_bounds = array<i64: 1, 1024, 128>}, {transform_indices = @transform_1, window_bounds = array<i64: 1, 1024, 128>}, {transform_indices = @transform_2, window_bounds = array<i64: 1024, 128>}, {transform_indices = @transform_3, window_bounds = array<i64: 1024, 128>}, {transform_indices = @transform_4, window_bounds = array<i64: 1024, 128>}, {pipeline_mode = #tpu.pipeline_mode<synchronous>, transform_indices = @transform_5, window_bounds = array<i64: 128, 128>}, {pipeline_mode = #tpu.pipeline_mode<synchronous>, transform_indices = @transform_6, window_bounds = array<i64: 256, 128>}, {pipeline_mode = #tpu.pipeline_mode<synchronous>, transform_indices = @transform_7, window_bounds = array<i64: 1, 128>}, {pipeline_mode = #tpu.pipeline_mode<synchronous>, transform_indices = @transform_8, window_bounds = array<i64: 1, 128>}, {pipeline_mode = #tpu.pipeline_mode<synchronous>, transform_indices = @transform_9, window_bounds = array<i64: 128, 256>}, {pipeline_mode = #tpu.pipeline_mode<synchronous>, transform_indices = @transform_10, window_bounds = array<i64: 128, 128>}]} {
    %get3A = arith.constant 0 : index
    %get3A_0 = arith.constant 0 : index
    %get3A_1 = vector.load %arg4[%get3A, %get3A_0] : memref<1024x128xf32, #tpu.memory_space<vmem>>, vector<1024x128xf32>
    %get3A_2 = arith.constant 0 : index
    %get3A_3 = arith.constant 0 : index
    %get3A_4 = arith.constant 0 : index
    %get3A_5 = vector.load %arg1[%get3A_2, %get3A_3, %get3A_4] : memref<1x1024x128xf32, #tpu.memory_space<vmem>>, vector<1x1024x128xf32>
    %get3A_6 = vector.shape_cast %get3A_5 : vector<1x1024x128xf32> to vector<1024x128xf32>
    %get3A_7 = arith.constant 0 : index
    %get3A_8 = arith.constant 0 : index
    %get3A_9 = arith.constant 0 : index
    %get3A_10 = vector.load %arg2[%get3A_7, %get3A_8, %get3A_9] : memref<1x1024x128xf32, #tpu.memory_space<vmem>>, vector<1x1024x128xf32>
    %get3A_11 = vector.shape_cast %get3A_10 : vector<1x1024x128xf32> to vector<1024x128xf32>
    %add3A = arith.addf %get3A_6, %get3A_11 : vector<1024x128xf32>
    %mul3A = arith.mulf %get3A_1, %add3A : vector<1024x128xf32>
    %mul3A_12 = arith.mulf %get3A_1, %get3A_1 : vector<1024x128xf32>
    %get3A_13 = arith.constant 0 : index
    %get3A_14 = arith.constant 0 : index
    %get3A_15 = vector.load %arg3[%get3A_13, %get3A_14] : memref<1024x128xf32, #tpu.memory_space<vmem>>, vector<1024x128xf32>
    %mul3A_16 = arith.mulf %mul3A_12, %get3A_15 : vector<1024x128xf32>
    %add3A_17 = arith.addf %mul3A, %mul3A_16 : vector<1024x128xf32>
    %get3A_18 = arith.constant 0 : index
    %get3A_19 = arith.constant 0 : index
    %get3A_20 = vector.load %arg8[%get3A_18, %get3A_19] : memref<1x128xf32, #tpu.memory_space<vmem>>, vector<1x128xf32>
    %add3A_21 = vector.broadcast %get3A_20 : vector<1x128xf32> to vector<1024x128xf32>
    %add3A_22 = arith.addf %add3A_17, %add3A_21 : vector<1024x128xf32>
    %max3A = arith.constant 0.000000e+00 : f32
    %max3A_23 = vector.broadcast %max3A : f32 to vector<1024x128xf32>
    %max3A_24 = arith.maximumf %add3A_22, %max3A_23 : vector<1024x128xf32>
    %get3A_25 = arith.constant 0 : index
    %get3A_26 = arith.constant 0 : index
    %get3A_27 = vector.load %arg5[%get3A_25, %get3A_26] : memref<1024x128xf32, #tpu.memory_space<vmem>>, vector<1024x128xf32>
    %get3A_28 = arith.constant 0 : index
    %get3A_29 = arith.constant 0 : index
    %get3A_30 = vector.load %arg6[%get3A_28, %get3A_29] : memref<128x128xf32, #tpu.memory_space<vmem>>, vector<128x128xf32>
    %dot_general3A = arith.constant dense<0.000000e+00> : vector<1024x128xf32>
    %dot_general3A_31 = tpu.matmul %get3A_27, %get3A_30, %dot_general3A {dimension_numbers = #tpu.dot_dimension_numbers<[1], [0], [0], [1], [0, 0, 1, 1], [], []>, transpose_lhs_hint = false} : vector<1024x128xf32>, vector<128x128xf32>, vector<1024x128xf32> -> vector<1024x128xf32>
    %concatenate3A = tpu.concatenate %max3A_24, %dot_general3A_31 in 1 : vector<1024x128xf32>, vector<1024x128xf32> -> vector<1024x256xf32>
    %get3A_32 = arith.constant 0 : index
    %get3A_33 = arith.constant 0 : index
    %get3A_34 = vector.load %arg5[%get3A_32, %get3A_33] : memref<1024x128xf32, #tpu.memory_space<vmem>>, vector<1024x128xf32>
    %dot_general3A_35 = arith.constant dense<0.000000e+00> : vector<128x256xf32>
    %dot_general3A_36 = tpu.matmul %get3A_34, %concatenate3A, %dot_general3A_35 {dimension_numbers = #tpu.dot_dimension_numbers<[0], [0], [1], [1], [0, 1, 1, 1], [], []>, transpose_lhs_hint = false} : vector<1024x128xf32>, vector<1024x256xf32>, vector<128x256xf32> -> vector<128x256xf32>
    %eq3A = arith.constant 0 : i32
    %eq3A_37 = arith.cmpi eq, %arg0, %eq3A : i32
    %convert_element_type3A = arith.extui %eq3A_37 : i1 to i32
    %cond3A = arith.constant 0 : i32
    %cond3A_38 = arith.cmpi ne, %convert_element_type3A, %cond3A : i32
    scf.if %cond3A_38 {
      %broadcast_in_dim3A = arith.constant 0.000000e+00 : f32
      %broadcast_in_dim3A_50 = vector.broadcast %broadcast_in_dim3A : f32 to vector<128x256xf32>
      %swap3A_51 = arith.constant 0 : index
      %swap3A_52 = arith.constant 0 : index
      %swap3A_53 = vector.load %arg12[%swap3A_51, %swap3A_52] : memref<128x256xf32, #tpu.memory_space<vmem>>, vector<128x256xf32>
      tpu.vector_store %arg12[%swap3A_51, %swap3A_52], %broadcast_in_dim3A_50 {strides = array<i32>} : memref<128x256xf32, #tpu.memory_space<vmem>>, vector<128x256xf32>,
    } else {
    }
    %get3A_39 = arith.constant 0 : index
    %get3A_40 = arith.constant 0 : index
    %get3A_41 = vector.load %arg12[%get3A_39, %get3A_40] : memref<128x256xf32, #tpu.memory_space<vmem>>, vector<128x256xf32>
    %add3A_42 = arith.addf %get3A_41, %dot_general3A_36 : vector<128x256xf32>
    %swap3A = arith.constant 0 : index
    %swap3A_43 = arith.constant 0 : index
    %swap3A_44 = vector.load %arg12[%swap3A, %swap3A_43] : memref<128x256xf32, #tpu.memory_space<vmem>>, vector<128x256xf32>
    tpu.vector_store %arg12[%swap3A, %swap3A_43], %add3A_42 {strides = array<i32>} : memref<128x256xf32, #tpu.memory_space<vmem>>, vector<128x256xf32>,
    %eq3A_45 = arith.constant 9 : i32
    %eq3A_46 = arith.cmpi eq, %arg0, %eq3A_45 : i32
    %convert_element_type3A_47 = arith.extui %eq3A_46 : i1 to i32
    %cond3A_48 = arith.constant 0 : i32
    %cond3A_49 = arith.cmpi ne, %convert_element_type3A_47, %cond3A_48 : i32
    scf.if %cond3A_49 {
      %get3A_50 = arith.constant 0 : index
      %get3A_51 = arith.constant 0 : index
      %get3A_52 = vector.load %arg12[%get3A_50, %get3A_51] : memref<128x256xf32, #tpu.memory_space<vmem>>, vector<128x256xf32>
      %get3A_53 = arith.constant 0 : index
      %get3A_54 = arith.constant 0 : index
      %get3A_55 = vector.load %arg10[%get3A_53, %get3A_54] : memref<128x256xf32, #tpu.memory_space<vmem>>, vector<128x256xf32>
      %mul3A_56 = arith.mulf %get3A_52, %get3A_55 : vector<128x256xf32>
      %get3A_57 = arith.constant 0 : index
      %get3A_58 = arith.constant 0 : index
      %get3A_59 = vector.load %arg7[%get3A_57, %get3A_58] : memref<256x128xf32, #tpu.memory_space<vmem>>, vector<256x128xf32>
      %dot_general3A_60 = arith.constant dense<0.000000e+00> : vector<128x128xf32>
      %dot_general3A_61 = tpu.matmul %mul3A_56, %get3A_59, %dot_general3A_60 {dimension_numbers = #tpu.dot_dimension_numbers<[1], [0], [0], [1], [0, 0, 1, 1], [], []>, transpose_lhs_hint = false} : vector<128x256xf32>, vector<256x128xf32>, vector<128x128xf32> -> vector<128x128xf32>
      %get3A_62 = arith.constant 0 : index
      %get3A_63 = arith.constant 0 : index
      %get3A_64 = vector.load %arg9[%get3A_62, %get3A_63] : memref<1x128xf32, #tpu.memory_space<vmem>>, vector<1x128xf32>
      %add3A_65 = vector.broadcast %get3A_64 : vector<1x128xf32> to vector<128x128xf32>
      %add3A_66 = arith.addf %dot_general3A_61, %add3A_65 : vector<128x128xf32>
      %swap3A_67 = arith.constant 0 : index
      %swap3A_68 = arith.constant 0 : index
      %swap3A_69 = vector.load %arg11[%swap3A_67, %swap3A_68] : memref<128x128xf32, #tpu.memory_space<vmem>>, vector<128x128xf32>
      tpu.vector_store %arg11[%swap3A_67, %swap3A_68], %add3A_66 {strides = array<i32>} : memref<128x128xf32, #tpu.memory_space<vmem>>, vector<128x128xf32>,
    } else {
    }
    return
  }
  func.func @transform_0(%arg0: i32) -> (i32, i32, i32) {
    %c0_i32 = arith.constant 0 : i32
    %c0_i32_0 = arith.constant 0 : i32
    %c0_i32_1 = arith.constant 0 : i32
    return %c0_i32, %arg0, %c0_i32_0 : i32, i32, i32
  }
  func.func @transform_1(%arg0: i32) -> (i32, i32, i32) {
    %c0_i32 = arith.constant 0 : i32
    %c0_i32_0 = arith.constant 0 : i32
    %c0_i32_1 = arith.constant 0 : i32
    return %c0_i32, %arg0, %c0_i32_0 : i32, i32, i32
  }
  func.func @transform_2(%arg0: i32) -> (i32, i32) {
    %c0_i32 = arith.constant 0 : i32
    %c0_i32_0 = arith.constant 0 : i32
    return %arg0, %c0_i32 : i32, i32
  }
  func.func @transform_3(%arg0: i32) -> (i32, i32) {
    %c0_i32 = arith.constant 0 : i32
    %c0_i32_0 = arith.constant 0 : i32
    return %arg0, %c0_i32 : i32, i32
  }
  func.func @transform_4(%arg0: i32) -> (i32, i32) {
    %c0_i32 = arith.constant 0 : i32
    %c0_i32_0 = arith.constant 0 : i32
    return %arg0, %c0_i32 : i32, i32
  }
  func.func @transform_5(%arg0: i32) -> (i32, i32) {
    %c0_i32 = arith.constant 0 : i32
    %c0_i32_0 = arith.constant 0 : i32
    %c0_i32_1 = arith.constant 0 : i32
    return %c0_i32, %c0_i32_0 : i32, i32
  }
  func.func @transform_6(%arg0: i32) -> (i32, i32) {
    %c0_i32 = arith.constant 0 : i32
    %c0_i32_0 = arith.constant 0 : i32
    %c0_i32_1 = arith.constant 0 : i32
    return %c0_i32, %c0_i32_0 : i32, i32
  }
  func.func @transform_7(%arg0: i32) -> (i32, i32) {
    %c0_i32 = arith.constant 0 : i32
    %c0_i32_0 = arith.constant 0 : i32
    %c0_i32_1 = arith.constant 0 : i32
    return %c0_i32, %c0_i32_0 : i32, i32
  }
  func.func @transform_8(%arg0: i32) -> (i32, i32) {
    %c0_i32 = arith.constant 0 : i32
    %c0_i32_0 = arith.constant 0 : i32
    %c0_i32_1 = arith.constant 0 : i32
    return %c0_i32, %c0_i32_0 : i32, i32
  }
  func.func @transform_9(%arg0: i32) -> (i32, i32) {
    %c0_i32 = arith.constant 0 : i32
    %c0_i32_0 = arith.constant 0 : i32
    %c0_i32_1 = arith.constant 0 : i32
    return %c0_i32, %c0_i32_0 : i32, i32
  }
  func.func @transform_10(%arg0: i32) -> (i32, i32) {
    %c0_i32 = arith.constant 0 : i32
    %c0_i32_0 = arith.constant 0 : i32
    %c0_i32_1 = arith.constant 0 : i32
    return %c0_i32, %c0_i32_0 : i32, i32
  }
}

</mosaic_0001>

<sc_bundles>
// kernel: kernel.7.cloned.1.call-start
scs
__scs_entry_jumppad:
0x0: {  	(pc) =	sbr.rel $0x88, $3  }
0x1: {  	(tag) =	ssettag $0x0;
	lr =	simm.s32 $0x1  }
0x2: {  	[smem:$0x3F92] =	sst lr;
	_ =	strace $0xD0000000  }
0x3: {  	_ = 	snop  }
0x4: {  	_ = 	snop  }
0x5: {  	_ = 	snop  }
0x6: {  	_ = 	snop  }
0x7: {  	_ = 	snop  }
__scs_overlays_trampoline_lowered:
0x8: {  	[smem:$0x3FA1] =	sst s0  }
0x9: {  	[smem:$0x3FA2] =	sst s1  }
0xa: {  	[smem:$0x3FA3] =	sst s2  }
0xb: {  	[smem:$0x3FA4] =	sst s3  }
0xc: {  	[smem:$0x3FA5] =	sst s4  }
0xd: {  	[smem:$0x3FA6] =	sst s5  }
0xe: {  	[smem:$0x3FA7] =	sst s6  }
0xf: {  	[smem:$0x3FA8] =	sst s7  }
0x10: {  	[smem:$0x3FA9] =	sst s8  }
0x11: {  	[smem:$0x3FAA] =	sst s9;
	s0 =	simm.s32 @!p0 $0x0  }
0x12: {  	s1 =	sld [smem:$0x3F90];
	s0 =	simm.s32 @p0 $0x1  }
0x13: {  	[smem:$0x3FAB] =	sst s0;
	s0 =	simm.s32 @!p1 $0x0  }
0x14: {  	s2 =	sld [smem:$0x3F8F];
	s0 =	simm.s32 @p1 $0x1  }
0x15: {  	[smem:$0x3FAC] =	sst s0;
	s0 =	simm.s32 @!p2 $0x0  }
0x16: {  	s3 =	sld [smem:$0x3FDB];
	s0 =	simm.s32 @p2 $0x1  }
0x17: {  	s4 =	simm.s32 $0x1BF5;
	[smem:$0x3FAE] =	sst s0  }
0x18: {  	s0 =	sld [smem:$0x3F91];
	_ =	swait.ge [sflag:s4], $0x0  }
0x19: {  	s7 =	sld [smem:$0x3F92]  }
0x1a: {  	s8 =	sadd.s32 $0xFFFFE003, lr  }
0x1b: {  	s9 =	sadd.s32 $0xFFFFFEF7, lr;
	s5 =	simm.s32 $0xFFFFFFFF;
	p2 =	slt.u32 s8, $0xFFFFF086  }
0x1c: {  	p1 =	slt.u32 s9, $0xF7A;
	s5 =	simm.s32 @!p2 $0x0  }
0x1d: {  	s5 =	simm.s32 @p1 $0x1;
	p0 =	seq.s32 s7, s2  }
0x1e: {  	s7 =	smul.u32 @!p0 $0xF7A, s2;
	p2 =	seq.s32 @!p0 s5, $0x0  }
0x1f: {  	s9 =	smul.u32 $0xF7A, s1;
	s8 =	simm.s32 @!p0 $0x1BF5;
	p2 =	por !p2, p0  }
0x20: {  	[sflag:s8] =	ssyncset.s32 @!p0 $0xFFFFF086;
	s6 =	sadd.s32 @!p0 s3, s7;
	s7 =	simm.s32 @!p0 $0x108  }
0x21: {  	s3 =	sadd.s32 s3, s9;
	s6 =	sadd.s32 @!p0 $0x88, s6;
	s7 =	simm.s32 @p2 $0x1082  }
0x22: {  	[simem:s7], [sflag:s8] =	dma.local @!p0 [hbm:s6], $0xF7A  }
0x23: {  	s9 =	sor.u32 $0xD0000000, s2;
	s6 =	simm.s32 $0x108;
	_ =	swait.ge @!p0 [sflag:s8], $0x0  }
0x24: {  	s3 =	sadd.s32 $0x88, s3;
	s6 =	simm.s32 @!p1 $0x1082;
	[sflag:s4] =	ssyncset.s32 $0xFFFFF086  }
0x25: {  	[simem:s6], [sflag:s4] =	dma.local [hbm:s3], $0xF7A  }
0x26: {  	[smem:$0x3F92] =	sst s1;
	(tag) =	ssettag s2;
	_ =	strace s9  }
0x27: {  	s1 =	sld [smem:$0x3FA2]  }
0x28: {  	s2 =	sld [smem:$0x3FA3]  }
0x29: {  	s4 =	sld [smem:$0x3FA5]  }
0x2a: {  	p0 =	seq.s32 s5, $0x0;
	s5 =	sld [smem:$0x3FA6]  }
0x2b: {  	s6 =	sld [smem:$0x3FA7]  }
0x2c: {  	s7 =	sld [smem:$0x3FA8]  }
0x2d: {  	s3 =	simm.s32 $0x108;
	s8 =	sld [smem:$0x3FA9]  }
0x2e: {  	s3 =	simm.s32 @!p0 $0x1082;
	s9 =	sld [smem:$0x3FAA]  }
0x2f: {  	lr =	sadd.s32 s0, s3;
	s0 =	sld [smem:$0x3FA1]  }
0x30: {  	s3 =	sld [smem:$0x3FA4]  }
0x31: {  	[smem:$0x3FAD] =	sst s10  }
0x32: {  	s10 =	sld [smem:$0x3FAB];
	_ =	sdelay $0x3  }
0x33: {  	p0 =	seq.s32 s10, $0x1;
	s10 =	sld [smem:$0x3FAD];
	_ =	sdelay $0x3  }
0x34: {  	[smem:$0x3FAD] =	sst s10  }
0x35: {  	s10 =	sld [smem:$0x3FAC];
	_ =	sdelay $0x3  }
0x36: {  	p1 =	seq.s32 s10, $0x1;
	s10 =	sld [smem:$0x3FAD];
	_ =	sdelay $0x3  }
0x37: {  	[smem:$0x3FAD] =	sst s10  }
0x38: {  	s10 =	sld [smem:$0x3FAE]  }
0x39: {  	_ = 	snop;
	(pc) =	sbr.ind lr, $3  }
0x3a: {  	_ = 	snop  }
0x3b: {  	_ = 	snop  }
0x3c: {  	p2 =	seq.s32 s10, $0x1;
	s10 =	sld [smem:$0x3FAD]  }
0x3d: {  	_ =	shalt  }
0x3e: {  	_ =	shalt  }
0x3f: {  	_ =	shalt  }
0x40: {  	_ =	shalt  }
0x41: {  	_ =	shalt  }
0x42: {  	_ =	shalt  }
0x43: {  	_ =	shalt  }
0x44: {  	_ =	shalt  }
0x45: {  	_ =	shalt  }
0x46: {  	_ =	shalt  }
0x47: {  	_ =	shalt  }
0x48: {  	_ =	shalt  }
0x49: {  	_ =	shalt  }
0x4a: {  	_ =	shalt  }
0x4b: {  	_ =	shalt  }
0x4c: {  	_ =	shalt  }
0x4d: {  	_ =	shalt  }
0x4e: {  	_ =	shalt  }
0x4f: {  	_ =	shalt  }
0x50: {  	_ =	shalt  }
0x51: {  	_ =	shalt  }
0x52: {  	_ =	shalt  }
0x53: {  	_ =	shalt  }
0x54: {  	_ =	shalt  }
0x55: {  	_ =	shalt  }
0x56: {  	_ =	shalt  }
0x57: {  	_ =	shalt  }
0x58: {  	_ =	shalt  }
0x59: {  	_ =	shalt  }
0x5a: {  	_ =	shalt  }
0x5b: {  	_ =	shalt  }
0x5c: {  	_ =	shalt  }
0x5d: {  	_ =	shalt  }
0x5e: {  	_ =	shalt  }
0x5f: {  	_ =	shalt  }
0x60: {  	_ =	shalt  }
0x61: {  	_ =	shalt  }
0x62: {  	_ =	shalt  }
0x63: {  	_ =	shalt  }
0x64: {  	_ =	shalt  }
0x65: {  	_ =	shalt  }
0x66: {  	_ =	shalt  }
0x67: {  	_ =	shalt  }
0x68: {  	_ =	shalt  }
0x69: {  	_ =	shalt  }
0x6a: {  	_ =	shalt  }
0x6b: {  	_ =	shalt  }
0x6c: {  	_ =	shalt  }
0x6d: {  	_ =	shalt  }
0x6e: {  	_ =	shalt  }
0x6f: {  	_ =	shalt  }
0x70: {  	_ =	shalt  }
0x71: {  	_ =	shalt  }
0x72: {  	_ =	shalt  }
0x73: {  	_ =	shalt  }
0x74: {  	_ =	shalt  }
0x75: {  	_ =	shalt  }
0x76: {  	_ =	shalt  }
0x77: {  	_ =	shalt  }
0x78: {  	_ =	shalt  }
0x79: {  	_ =	shalt  }
0x7a: {  	_ =	shalt  }
0x7b: {  	_ =	shalt  }
0x7c: {  	_ =	shalt  }
0x7d: {  	_ =	shalt  }
0x7e: {  	_ =	shalt  }
0x7f: {  	_ =	shalt  }
0x80: {  	_ =	shalt  }
0x81: {  	_ =	shalt  }
0x82: {  	_ =	shalt  }
0x83: {  	_ =	shalt  }
0x84: {  	_ =	shalt  }
0x85: {  	_ =	shalt  }
0x86: {  	_ =	shalt  }
0x87: {  	_ =	shalt  }
.Lfunc_end0:
.L_simem_size_0:
called_computation_lowered:
.L_overlay_start_0:
0x88: {  	s2 =	sld [smem:$0x3FD9]  }
0x89: {  	s3 =	sld [smem:$0x3FFE];
	_ =	sdelay $0x1  }
0x8a: {  	s1 =	srdreg.scid  }
0x8b: {  	s0 =	sand.u32 $0x1, s1  }
0x8c: {  	s17 =	sshll.u32 s0, $0xA;
	s2 =	sadd.s32 s3, s2  }
0x8d: {  	s2 =	sadd.s32 s2, s17  }
0x8e: {  	[smem:$0x3FB9] =	sst s2  }
0x8f: {  	_ = 	snop  }
0x90: {  	s2 =	sld [smem:$0x3FD0];
	(tm) =	ssettm $0x1  }
0x91: {  	s18 =	sld [smem:$0x3FFB];
	_ =	sdelay $0x3  }
0x92: {  	_ =	strace s18  }
0x93: {  	s3 =	sld [smem:$0x3FFC];
	_ =	sdelay $0x3  }
0x94: {  	_ =	strace s3  }
0x95: {  	s3 =	sld [smem:$0x3FFD];
	_ =	sdelay $0x3  }
0x96: {  	_ =	strace s3  }
0x97: {  	_ =	strace $0x8FFFFFFF  }
0x98: {  	s19 =	sld [smem:$0x3FDB];
	_ =	sdelay $0x1  }
0x99: {  	s4 =	simm.s32 $_scs_section_size  }
0x9a: {  	s5 =	simm.s32 $_size__tile_overlayer_lowered;
	s6 =	simm.s32 $_tile_overlayer_lowered  }
0x9b: {  	s22 =	simm.s32 $0x1BFF;
	s21 =	sshll.u32 s6, $0x1;
	s3 =	sadd.s32 s4, s19  }
0x9c: {  	s7 =	simm.s32 $0x0;
	s20 =	sshll.u32 s5, $0x1;
	s5 =	sadd.s32 s21, s3  }
0x9d: {  	[timem:s7], [sflag:s22] =	dma.local [hbm:s5], s20  }
0x9e: {  	_ =	swait.ge [sflag:s22], s20  }
0x9f: {  	s4 =	ssub.s32 $0x0, s20;
	[sflag:s22] =	ssyncset.done $0x0  }
0xa0: {  	[sflag:s22] =	ssyncadd.s32 s4;
	_ =	sdelay $0x1  }
0xa1: {  	s23 =	simm.s32 $0x1B8B  }
0xa2: {  	_ =	swait.ge [sflag:s23], $0x1  }
0xa3: {  	[sflag:s23] =	ssyncset.done $0x0  }
0xa4: {  	s25 =	simm.s32 $0x1B8E;
	s24 =	sld [smem:$0x3FFE];
	[sflag:s23] =	ssyncadd.s32 $0xFFFFFFFF  }
0xa5: {  	s26 =	simm.s32 $execute0_lowered;
	[smem:$0x3FD2] =	sst s25  }
0xa6: {  	s5 =	sshll.u32 s26, $0x1;
	_ =	strace $0x80000046;
	[dreg:$0x1] =	wrdreg $0xFFFFFFFF  }
0xa7: {  	s28 =	simm.s32 $_size_execute0_lowered;
	s3 =	sadd.s32 s3, s5;
	[dreg:$0x0] =	wrdreg $0x0  }
0xa8: {  	s5 =	sshll.u32 s28, $0x1;
	[dreg:$0x2] =	wrdreg s3  }
0xa9: {  	[dreg:$0x3] =	wrdreg s5  }
0xaa: {  	[dreg:$0x4] =	wrdreg $0xC0  }
0xab: {  	_ =	task [dreg:s7], $0x5FFFF  }
0xac: {  	[dreg:$0x1] =	wrdreg $0xFFFFFFFF  }
0xad: {  	[dreg:$0x0] =	wrdreg $0x60  }
0xae: {  	[dreg:$0x2] =	wrdreg s24  }
0xaf: {  	[dreg:$0x3] =	wrdreg s2  }
0xb0: {  	[dreg:$0x4] =	wrdreg $0x1000  }
0xb1: {  	[dreg:$0x5] =	wrdreg $0x9  }
0xb2: {  	_ =	task.clear_ibuf [dreg:s7], $0x6FFFF;
	_ =	strace $0x90000046  }
0xb3: {  	s29 =	simm.s32 $0x9;
	_ =	strace $0x80000048  }
0xb4: {  	_ =	swait.ge [sflag:s29], $0x1  }
0xb5: {  	[sflag:s29] =	ssyncadd.s32 $0xFFFFFFFF  }
0xb6: {  	_ =	strace $0x90000048  }
0xb7: {  	_ =	sfence  }
0xb8: {  	s30 =	sld [smem:$0x0];
	_ =	sdelay $0x2  }
0xb9: {  	s31 =	sshll.u32 s1, $0xD;
	s1 =	sshrl.u32 s1, $0x2  }
0xba: {  	s3 =	sand.u32 $0x4000, s31;
	s1 =	sadd.s32 s1, s30  }
0xbb: {  	s0 =	sor.u32 s3, s0;
	s1 =	sshll.u32 s1, $0x11  }
0xbc: {  	s0 =	sor.u32 s1, s0  }
0xbd: {  	s0 =	sadd.s32 $0x8F2B, s0  }
0xbe: {  	[sflag:s0] =	ssyncadd.remote.s32 $0x1  }
0xbf: {  	_ =	sfence.sel $0xFFFF  }
0xc0: {  	[dreg:$0x0] =	wrdreg $0xFFFFFFFF;
	(pc) =	sbr.abs _section_cstart, $3  }
0xc1: {  	[dreg:$0x1] =	wrdreg $0xFFFFFFFF  }
0xc2: {  	_ =	task.clear_ibuf [dreg:s7], $0x2FFFF;
	_ =	strace $0x9FFFFFFF  }
0xc3: {  	(tm) =	ssettm $0x7FFFFFFF  }
tec
execute0_lowered:
.L_overlay_start_1:
0x0: {  	(tag) =	ssettag $0x1  }
0x1: {  	s6 =	rddreg [dreg:$0x0]  }
0x2: {  	s1 =	rddreg [dreg:$0x1]  }
0x3: {  	s2 =	rddreg [dreg:$0x2];
	s3 =	srdreg.scid  }
0x4: {  	s0 =	rddreg [dreg:$0x3];
	s4 =	simm.s32 $0x0;
	s7 =	sand.u32 $0x1, s3  }
0x5: {  	s14 =	simm.s32 $0x10;
	s3 =	stileid.u32;
	s5 =	smul.u32 $0x4F00, s7  }
0x6: {  	s15 =	simm.s32 $0x0;
	[smem:$0x7FF] =	sst s4;
	s8 =	smul.u32 $0x500, s3  }
0x7: {  	_ =	strace $0x80000047;
	s9 =	sshll.u32 s7, $0x7;
	s26 =	smul.u32 $0xA00, s3  }
0x8: {  	s7 =	ssub.s32 $0x2, s7;
	s11 =	smul.u32 $0x4F0, s3;
	s30 =	sshll.u32 s3, $0x6  }
0x9: {  	s28 =	sshrl.u32 s7, $0x1;
	s10 =	sadd.s32 s5, s6;
	s5 =	sadd.s32 $0x17200, s6  }
0xa: {  	s8 =	sor.u32 s9, s8;
	s12 =	ssub.s32 s7, s28;
	s29 =	sshrl.u32 s26, $0x2  }
0xb: {  	s8 =	sshrl.u32 s8, $0x3;
	s13 =	sadd.s32 s29, s2;
	s31 =	sadd.s32 s11, s10  }
0xc: {  	s11 =	simm.s32 $0x1;
	s8 =	sadd.s32 s8, s6;
	s6 =	sor.u32 $0x1C01, s30  }
0xd: {  	s9 =	sadd.s32 $0xD400, s31;
	s10 =	sshrl.u32 s13, $0x3;
	s13 =	simm.s32 $0x20  }
0xe: {  	s7 =	sadd.s32 $0x17400, s8;
	s8 =	smax.u32 s12, $0x1;
	s12 =	simm.s32 $0x80  }
.LBB2_1:
0xf: {  	[spmem:s10], [sflag:s6] =	dma.local [hbm:s5], $0x50  }
0x10: {  	_ =	swait.ge [sflag:s11], $0x50  }
0x11: {  	[sflag:s11] =	ssyncset.done $0x0  }
0x12: {  	[sflag:s11] =	ssyncadd.s32 $0xFFFFFFB0  }
0x13: {  	[tilespmem:s4], [sflag:$0x1] =	stream.linear.gather [hbm4b:s1+s4], $0x80, $0x38;
	[tilespmem:$0x380] =	vst v63  }
0x14: {  	_ =	swait.ge [sflag:s11], $0x80  }
0x15: {  	[sflag:s11] =	ssyncset.done $0x0  }
0x16: {  	[sflag:s11] =	ssyncadd.s32 $0xFFFFFF80  }
0x17: {  	s16 =	sadd.s32 $0x0, s9;
	[bflag:$0x0] =	sbarrier.arrive $0xFFFF  }
0x18: {  	[tilespmem:s12], [sflag:$0x1] =	stream.linear.gather [hbm4b:s16+s4], $0x80, $0x38;
	[tilespmem:$0x380] =	vst v63  }
0x19: {  	_ =	swait.ge [sflag:s11], $0x80  }
0x1a: {  	[sflag:s11] =	ssyncset.done $0x0  }
0x1b: {  	[sflag:s11] =	ssyncadd.s32 $0xFFFFFF80  }
0x1c: {  	[spmem:s2] =	stream.indirect.scatter.add.f32 [tilespmem:s4], [sflag:$0x1], $0x1, s12, s12, $0xb8;
	[tilespmem:$0x380] =	vst v63  }
0x1d: {  	_ =	swait.ge [sflag:s11], $0x80  }
0x1e: {  	s17 =	simm.s32 $0x20;
	s16 =	simm.s32 $0x10;
	[sflag:s11] =	ssyncset.done $0x0  }
.LBB2_2:
0x1f: {  	s18 =	sadd.s32 s16, s9  }
0x20: {  	[sflag:s11] =	ssyncadd.s32 $0xFFFFFF80;
	s16 =	smov.u32 s17;
	s19 =	sadd.s32 $0x10, s17  }
0x21: {  	[tilespmem:s12], [sflag:$0x1] =	stream.linear.gather [hbm4b:s18+s4], $0x80, $0x38;
	[tilespmem:$0x380] =	vst v63  }
0x22: {  	p0 =	sne.s32 s17, $0x4E0;
	_ =	swait.ge [sflag:s11], $0x80  }
.Ltmp0:
0x23: {  	[sflag:s11] =	ssyncset.done $0x0;
	(pc) =	sbr.rel @p0 .LBB2_2-.Ltmp0, $4  }
0x24: {  	[sflag:s11] =	ssyncadd.s32 $0xFFFFFF80  }
0x25: {  	[spmem:s2] =	stream.indirect.scatter.add.f32 [tilespmem:s4], [sflag:$0x1], $0x1, s12, s12, $0xb8;
	[tilespmem:$0x380] =	vst v63  }
0x26: {  	_ =	swait.ge [sflag:s11], $0x80  }
0x27: {  	s17 =	smov.u32 s19;
	[sflag:s11] =	ssyncset.done $0x0  }
0x28: {  	s16 =	sadd.s32 s16, s9;
	[sflag:s11] =	ssyncadd.s32 $0xFFFFFF80  }
0x29: {  	[tilespmem:s12], [sflag:$0x1] =	stream.linear.gather [hbm4b:s16+s4], $0x80, $0x38;
	[tilespmem:$0x380] =	vst v63  }
0x2a: {  	_ =	swait.ge [sflag:s11], $0x80  }
0x2b: {  	[sflag:s11] =	ssyncset.done $0x0  }
0x2c: {  	[sflag:s11] =	ssyncadd.s32 $0xFFFFFF80  }
0x2d: {  	[spmem:s2] =	stream.indirect.scatter.add.f32 [tilespmem:s4], [sflag:$0x1], $0x1, s12, s12, $0xb8;
	[tilespmem:$0x380] =	vst v63  }
0x2e: {  	_ =	swait.ge [sflag:s11], $0x80  }
0x2f: {  	s15 =	sadd.s32 $0x1, s15;
	[sflag:s11] =	ssyncset.done $0x0  }
0x30: {  	p0 =	sne.s32 s15, s8;
	[sflag:s11] =	ssyncadd.s32 $0xFFFFFF80  }
.Ltmp1:
0x31: {  	[bflag:$0x0] =	sbarrier.arrive $0xFFFF;
	(pc) =	sbr.rel @p0 .LBB2_1-.Ltmp1, $4  }
0x32: {  	[hbm:s7@s13], [sflag:s6] =	dma.strided [spmem:s10@s14], $0x50, s11, $0x10   }
0x33: {  	_ =	swait.ge [sflag:s11], $0x50  }
0x34: {  	[sflag:s11] =	ssyncset.done $0x0  }
0x35: {  	[sflag:s11] =	ssyncadd.s32 $0xFFFFFFB0  }
0x36: {  	_ =	sfence.sel $0x180000  }
0x37: {  	[bflag:$0x0] =	sbarrier.arrive $0xFFFF  }
0x38: {  	p0 =	sne.s32 s3, $0x0;
	_ =	strace $0x90000047  }
0x39: {  	s0 =	sadd.s32 @!p0 $0x100000, s0;
	[bflag:$0x2] =	sbarrier.arrive $0xFFFF  }
0x3a: {  	[sflag:s0] =	ssyncadd.tile.s32 @!p0 $0x1;
	_ =	shalt  }
.Lfunc_end2:
_tile_overlayer_lowered:
.L_overlay_start_2:
0x3b: {  	(tag) =	ssettag $0x2  }
0x3c: {  	s0 =	rddreg [dreg:$0x0];
	s2 =	stileid.u32  }
0x3d: {  	s1 =	rddreg [dreg:$0x1];
	p0 =	sne.s32 s2, $0x0  }
0x3e: {  	s3 =	rddreg [dreg:$0x2];
	[bflag:$0x3] =	sbarrier.arrive $0xFFFF;
	s2 =	simm.s32 @!p0 $0x1C01  }
0x3f: {  	[timem:s3], [sflag:s2] =	dma.local @!p0 [hbm:s0], s1  }
0x40: {  	s0 =	simm.s32 @!p0 $0x1  }
0x41: {  	_ =	swait.ge @!p0 [sflag:s0], s1  }
0x42: {  	s1 =	ssub.s32 @!p0 $0x0, s1;
	[sflag:s0] =	ssyncset.done @!p0 $0x0  }
0x43: {  	[sflag:s0] =	ssyncadd.s32 @!p0 s1  }
0x44: {  	[bflag:$0x3] =	sbarrier.arrive $0xFFFF  }
0x45: {  	_ =	shalt  }

// kernel: segsum.4.cloned.1.call-start
scs
__scs_entry_jumppad:
0x0: {  	(pc) =	sbr.rel $0x88, $3  }
0x1: {  	(tag) =	ssettag $0x0;
	lr =	simm.s32 $0x1  }
0x2: {  	[smem:$0x3F92] =	sst lr;
	_ =	strace $0xD0000000  }
0x3: {  	_ = 	snop  }
0x4: {  	_ = 	snop  }
0x5: {  	_ = 	snop  }
0x6: {  	_ = 	snop  }
0x7: {  	_ = 	snop  }
__scs_overlays_trampoline_lowered:
0x8: {  	[smem:$0x3FA1] =	sst s0  }
0x9: {  	[smem:$0x3FA2] =	sst s1  }
0xa: {  	[smem:$0x3FA3] =	sst s2  }
0xb: {  	[smem:$0x3FA4] =	sst s3  }
0xc: {  	[smem:$0x3FA5] =	sst s4  }
0xd: {  	[smem:$0x3FA6] =	sst s5  }
0xe: {  	[smem:$0x3FA7] =	sst s6  }
0xf: {  	[smem:$0x3FA8] =	sst s7  }
0x10: {  	[smem:$0x3FA9] =	sst s8  }
0x11: {  	[smem:$0x3FAA] =	sst s9;
	s0 =	simm.s32 @!p0 $0x0  }
0x12: {  	s1 =	sld [smem:$0x3F90];
	s0 =	simm.s32 @p0 $0x1  }
0x13: {  	[smem:$0x3FAB] =	sst s0;
	s0 =	simm.s32 @!p1 $0x0  }
0x14: {  	s2 =	sld [smem:$0x3F8F];
	s0 =	simm.s32 @p1 $0x1  }
0x15: {  	[smem:$0x3FAC] =	sst s0;
	s0 =	simm.s32 @!p2 $0x0  }
0x16: {  	s3 =	sld [smem:$0x3FDB];
	s0 =	simm.s32 @p2 $0x1  }
0x17: {  	s4 =	simm.s32 $0x1BF5;
	[smem:$0x3FAE] =	sst s0  }
0x18: {  	s0 =	sld [smem:$0x3F91];
	_ =	swait.ge [sflag:s4], $0x0  }
0x19: {  	s7 =	sld [smem:$0x3F92]  }
0x1a: {  	s8 =	sadd.s32 $0xFFFFE003, lr  }
0x1b: {  	s9 =	sadd.s32 $0xFFFFFEF7, lr;
	s5 =	simm.s32 $0xFFFFFFFF;
	p2 =	slt.u32 s8, $0xFFFFF086  }
0x1c: {  	p1 =	slt.u32 s9, $0xF7A;
	s5 =	simm.s32 @!p2 $0x0  }
0x1d: {  	s5 =	simm.s32 @p1 $0x1;
	p0 =	seq.s32 s7, s2  }
0x1e: {  	s7 =	smul.u32 @!p0 $0xF7A, s2;
	p2 =	seq.s32 @!p0 s5, $0x0  }
0x1f: {  	s9 =	smul.u32 $0xF7A, s1;
	s8 =	simm.s32 @!p0 $0x1BF5;
	p2 =	por !p2, p0  }
0x20: {  	[sflag:s8] =	ssyncset.s32 @!p0 $0xFFFFF086;
	s6 =	sadd.s32 @!p0 s3, s7;
	s7 =	simm.s32 @!p0 $0x108  }
0x21: {  	s3 =	sadd.s32 s3, s9;
	s6 =	sadd.s32 @!p0 $0x88, s6;
	s7 =	simm.s32 @p2 $0x1082  }
0x22: {  	[simem:s7], [sflag:s8] =	dma.local @!p0 [hbm:s6], $0xF7A  }
0x23: {  	s9 =	sor.u32 $0xD0000000, s2;
	s6 =	simm.s32 $0x108;
	_ =	swait.ge @!p0 [sflag:s8], $0x0  }
0x24: {  	s3 =	sadd.s32 $0x88, s3;
	s6 =	simm.s32 @!p1 $0x1082;
	[sflag:s4] =	ssyncset.s32 $0xFFFFF086  }
0x25: {  	[simem:s6], [sflag:s4] =	dma.local [hbm:s3], $0xF7A  }
0x26: {  	[smem:$0x3F92] =	sst s1;
	(tag) =	ssettag s2;
	_ =	strace s9  }
0x27: {  	s1 =	sld [smem:$0x3FA2]  }
0x28: {  	s2 =	sld [smem:$0x3FA3]  }
0x29: {  	s4 =	sld [smem:$0x3FA5]  }
0x2a: {  	p0 =	seq.s32 s5, $0x0;
	s5 =	sld [smem:$0x3FA6]  }
0x2b: {  	s6 =	sld [smem:$0x3FA7]  }
0x2c: {  	s7 =	sld [smem:$0x3FA8]  }
0x2d: {  	s3 =	simm.s32 $0x108;
	s8 =	sld [smem:$0x3FA9]  }
0x2e: {  	s3 =	simm.s32 @!p0 $0x1082;
	s9 =	sld [smem:$0x3FAA]  }
0x2f: {  	lr =	sadd.s32 s0, s3;
	s0 =	sld [smem:$0x3FA1]  }
0x30: {  	s3 =	sld [smem:$0x3FA4]  }
0x31: {  	[smem:$0x3FAD] =	sst s10  }
0x32: {  	s10 =	sld [smem:$0x3FAB];
	_ =	sdelay $0x3  }
0x33: {  	p0 =	seq.s32 s10, $0x1;
	s10 =	sld [smem:$0x3FAD];
	_ =	sdelay $0x3  }
0x34: {  	[smem:$0x3FAD] =	sst s10  }
0x35: {  	s10 =	sld [smem:$0x3FAC];
	_ =	sdelay $0x3  }
0x36: {  	p1 =	seq.s32 s10, $0x1;
	s10 =	sld [smem:$0x3FAD];
	_ =	sdelay $0x3  }
0x37: {  	[smem:$0x3FAD] =	sst s10  }
0x38: {  	s10 =	sld [smem:$0x3FAE]  }
0x39: {  	_ = 	snop;
	(pc) =	sbr.ind lr, $3  }
0x3a: {  	_ = 	snop  }
0x3b: {  	_ = 	snop  }
0x3c: {  	p2 =	seq.s32 s10, $0x1;
	s10 =	sld [smem:$0x3FAD]  }
0x3d: {  	_ =	shalt  }
0x3e: {  	_ =	shalt  }
0x3f: {  	_ =	shalt  }
0x40: {  	_ =	shalt  }
0x41: {  	_ =	shalt  }
0x42: {  	_ =	shalt  }
0x43: {  	_ =	shalt  }
0x44: {  	_ =	shalt  }
0x45: {  	_ =	shalt  }
0x46: {  	_ =	shalt  }
0x47: {  	_ =	shalt  }
0x48: {  	_ =	shalt  }
0x49: {  	_ =	shalt  }
0x4a: {  	_ =	shalt  }
0x4b: {  	_ =	shalt  }
0x4c: {  	_ =	shalt  }
0x4d: {  	_ =	shalt  }
0x4e: {  	_ =	shalt  }
0x4f: {  	_ =	shalt  }
0x50: {  	_ =	shalt  }
0x51: {  	_ =	shalt  }
0x52: {  	_ =	shalt  }
0x53: {  	_ =	shalt  }
0x54: {  	_ =	shalt  }
0x55: {  	_ =	shalt  }
0x56: {  	_ =	shalt  }
0x57: {  	_ =	shalt  }
0x58: {  	_ =	shalt  }
0x59: {  	_ =	shalt  }
0x5a: {  	_ =	shalt  }
0x5b: {  	_ =	shalt  }
0x5c: {  	_ =	shalt  }
0x5d: {  	_ =	shalt  }
0x5e: {  	_ =	shalt  }
0x5f: {  	_ =	shalt  }
0x60: {  	_ =	shalt  }
0x61: {  	_ =	shalt  }
0x62: {  	_ =	shalt  }
0x63: {  	_ =	shalt  }
0x64: {  	_ =	shalt  }
0x65: {  	_ =	shalt  }
0x66: {  	_ =	shalt  }
0x67: {  	_ =	shalt  }
0x68: {  	_ =	shalt  }
0x69: {  	_ =	shalt  }
0x6a: {  	_ =	shalt  }
0x6b: {  	_ =	shalt  }
0x6c: {  	_ =	shalt  }
0x6d: {  	_ =	shalt  }
0x6e: {  	_ =	shalt  }
0x6f: {  	_ =	shalt  }
0x70: {  	_ =	shalt  }
0x71: {  	_ =	shalt  }
0x72: {  	_ =	shalt  }
0x73: {  	_ =	shalt  }
0x74: {  	_ =	shalt  }
0x75: {  	_ =	shalt  }
0x76: {  	_ =	shalt  }
0x77: {  	_ =	shalt  }
0x78: {  	_ =	shalt  }
0x79: {  	_ =	shalt  }
0x7a: {  	_ =	shalt  }
0x7b: {  	_ =	shalt  }
0x7c: {  	_ =	shalt  }
0x7d: {  	_ =	shalt  }
0x7e: {  	_ =	shalt  }
0x7f: {  	_ =	shalt  }
0x80: {  	_ =	shalt  }
0x81: {  	_ =	shalt  }
0x82: {  	_ =	shalt  }
0x83: {  	_ =	shalt  }
0x84: {  	_ =	shalt  }
0x85: {  	_ =	shalt  }
0x86: {  	_ =	shalt  }
0x87: {  	_ =	shalt  }
.Lfunc_end0:
.L_simem_size_0:
called_computation.1_lowered:
.L_overlay_start_0:
0x88: {  	s2 =	sld [smem:$0x3FD9]  }
0x89: {  	s3 =	sld [smem:$0x3FFE];
	_ =	sdelay $0x1  }
0x8a: {  	s1 =	srdreg.scid  }
0x8b: {  	s0 =	sand.u32 $0x1, s1  }
0x8c: {  	s16 =	sshll.u32 s0, $0xA;
	s2 =	sadd.s32 s3, s2  }
0x8d: {  	s2 =	sadd.s32 s2, s16  }
0x8e: {  	[smem:$0x3FB9] =	sst s2  }
0x8f: {  	_ = 	snop  }
0x90: {  	(tm) =	ssettm $0x1  }
0x91: {  	s17 =	sld [smem:$0x3FFB];
	_ =	sdelay $0x3  }
0x92: {  	_ =	strace s17  }
0x93: {  	s2 =	sld [smem:$0x3FFC];
	_ =	sdelay $0x3  }
0x94: {  	_ =	strace s2  }
0x95: {  	s2 =	sld [smem:$0x3FFD];
	_ =	sdelay $0x3  }
0x96: {  	_ =	strace s2  }
0x97: {  	_ =	strace $0x8FFFFFFF  }
0x98: {  	s18 =	sld [smem:$0x3FDB];
	_ =	sdelay $0x1  }
0x99: {  	s19 =	simm.s32 $_scs_section_size  }
0x9a: {  	s4 =	simm.s32 $_size__tile_overlayer_lowered;
	s5 =	simm.s32 $_tile_overlayer_lowered  }
0x9b: {  	s22 =	simm.s32 $0x1BFF;
	s21 =	sshll.u32 s5, $0x1;
	s2 =	sadd.s32 s19, s18  }
0x9c: {  	s6 =	simm.s32 $0x0;
	s20 =	sshll.u32 s4, $0x1;
	s4 =	sadd.s32 s21, s2  }
0x9d: {  	[timem:s6], [sflag:s22] =	dma.local [hbm:s4], s20  }
0x9e: {  	_ =	swait.ge [sflag:s22], s20  }
0x9f: {  	s3 =	ssub.s32 $0x0, s20;
	[sflag:s22] =	ssyncset.done $0x0  }
0xa0: {  	[sflag:s22] =	ssyncadd.s32 s3;
	_ =	sdelay $0x1  }
0xa1: {  	s23 =	simm.s32 $0x1B8B  }
0xa2: {  	_ =	swait.ge [sflag:s23], $0x1  }
0xa3: {  	[sflag:s23] =	ssyncset.done $0x0  }
0xa4: {  	s25 =	simm.s32 $0x1B8E;
	s24 =	sld [smem:$0x3FFE];
	[sflag:s23] =	ssyncadd.s32 $0xFFFFFFFF  }
0xa5: {  	s26 =	simm.s32 $execute0_lowered;
	[smem:$0x3FD2] =	sst s25  }
0xa6: {  	s4 =	sshll.u32 s26, $0x1;
	_ =	strace $0x80000049;
	[dreg:$0x1] =	wrdreg $0xFFFFFFFF  }
0xa7: {  	s28 =	simm.s32 $_size_execute0_lowered;
	s2 =	sadd.s32 s2, s4;
	[dreg:$0x0] =	wrdreg $0x0  }
0xa8: {  	s4 =	sshll.u32 s28, $0x1;
	[dreg:$0x2] =	wrdreg s2  }
0xa9: {  	[dreg:$0x3] =	wrdreg s4  }
0xaa: {  	[dreg:$0x4] =	wrdreg $0xC0  }
0xab: {  	_ =	task [dreg:s6], $0x5FFFF  }
0xac: {  	[dreg:$0x1] =	wrdreg $0xFFFFFFFF  }
0xad: {  	[dreg:$0x0] =	wrdreg $0x60  }
0xae: {  	[dreg:$0x2] =	wrdreg s24  }
0xaf: {  	[dreg:$0x3] =	wrdreg $0x41000  }
0xb0: {  	[dreg:$0x4] =	wrdreg $0x9  }
0xb1: {  	_ =	task.clear_ibuf [dreg:s6], $0x5FFFF;
	_ =	strace $0x90000049  }
0xb2: {  	s29 =	simm.s32 $0x9;
	_ =	strace $0x8000004B  }
0xb3: {  	_ =	swait.ge [sflag:s29], $0x1  }
0xb4: {  	[sflag:s29] =	ssyncadd.s32 $0xFFFFFFFF  }
0xb5: {  	_ =	strace $0x9000004B  }
0xb6: {  	_ =	sfence  }
0xb7: {  	s30 =	sld [smem:$0x0];
	_ =	sdelay $0x2  }
0xb8: {  	s31 =	sshll.u32 s1, $0xD;
	s1 =	sshrl.u32 s1, $0x2  }
0xb9: {  	s3 =	sand.u32 $0x4000, s31;
	s1 =	sadd.s32 s1, s30  }
0xba: {  	s0 =	sor.u32 s3, s0;
	s1 =	sshll.u32 s1, $0x11  }
0xbb: {  	s0 =	sor.u32 s1, s0  }
0xbc: {  	s0 =	sadd.s32 $0x8F2B, s0  }
0xbd: {  	[sflag:s0] =	ssyncadd.remote.s32 $0x1  }
0xbe: {  	_ =	sfence.sel $0xFFFF  }
0xbf: {  	[dreg:$0x0] =	wrdreg $0xFFFFFFFF;
	(pc) =	sbr.abs _section_cstart, $3  }
0xc0: {  	[dreg:$0x1] =	wrdreg $0xFFFFFFFF  }
0xc1: {  	_ =	task.clear_ibuf [dreg:s6], $0x2FFFF;
	_ =	strace $0x9FFFFFFF  }
0xc2: {  	(tm) =	ssettm $0x7FFFFFFF  }
0xc3: {  	_ =	shalt  }
tec
execute0_lowered:
.L_overlay_start_1:
0x0: {  	(tag) =	ssettag $0x1  }
0x1: {  	s6 =	rddreg [dreg:$0x0];
	s0 =	srdreg.scid  }
0x2: {  	s2 =	rddreg [dreg:$0x1];
	s1 =	stileid.u32;
	s3 =	simm.s32 $0x0  }
0x3: {  	s14 =	simm.s32 $0x100;
	s15 =	simm.s32 $0x1;
	s8 =	smul.u32 $0x14000, s1  }
0x4: {  	s7 =	sand.u32 $0x1, s0;
	s0 =	rddreg [dreg:$0x2];
	s10 =	smul.u32 $0x50000, s1  }
0x5: {  	s16 =	simm.s32 $0x0;
	[smem:$0x7FF] =	sst s3;
	s11 =	smul.u32 $0x4F0, s1  }
0x6: {  	s4 =	sadd.s32 $0x49C00, s6;
	s30 =	sshll.u32 s1, $0x6;
	s5 =	smul.u32 $0x140000, s7  }
0x7: {  	s9 =	smul.u32 $0x4F00, s7;
	_ =	strace $0x8000004A;
	s29 =	ssub.s32 $0x2, s7  }
0x8: {  	s7 =	sshrl.u32 s29, $0x1;
	s10 =	sshrl.u32 s10, $0x2;
	s5 =	sadd.s32 s8, s5  }
0x9: {  	s26 =	sadd.s32 s9, s6;
	s12 =	ssub.s32 s29, s7;
	s13 =	sadd.s32 s10, s2  }
0xa: {  	s28 =	sshrl.u32 s5, $0x3;
	s5 =	sadd.s32 $0x3600, s6;
	s31 =	sadd.s32 s11, s26  }
0xb: {  	s8 =	smax.u32 s12, $0x1;
	s11 =	sshrl.u32 s13, $0x3;
	s12 =	simm.s32 $0x2  }
0xc: {  	s13 =	simm.s32 $0x80;
	s9 =	sadd.s32 s28, s6;
	s6 =	sor.u32 $0x1C02, s30  }
0xd: {  	s10 =	sadd.s32 $0x17E00, s31;
	s7 =	sadd.s32 $0x99C00, s9;
	s9 =	sadd.s32 $0xD400, s31  }
.LBB2_1:
0xe: {  	[spmem:s11], [sflag:s6] =	dma.local [hbm:s5], $0x2800  }
0xf: {  	_ =	swait.ge [sflag:s12], $0x2800  }
0x10: {  	[sflag:s12] =	ssyncset.done $0x0  }
0x11: {  	[sflag:s12] =	ssyncadd.s32 $0xFFFFD800  }
0x12: {  	s17 =	sadd.s32 $0x0, s10;
	[bflag:$0x0] =	sbarrier.arrive $0xFFFF  }
0x13: {  	[tilespmem:s3], [sflag:$0x2] =	stream.linear.gather [hbm4b:s17+s3], $0x80, $0x38;
	[tilespmem:$0x18100] =	vst v63  }
0x14: {  	_ =	swait.ge [sflag:s12], $0x80  }
0x15: {  	[sflag:s12] =	ssyncset.done $0x0  }
0x16: {  	[sflag:s12] =	ssyncadd.s32 $0xFFFFFF80  }
0x17: {  	[tilespmem:s14], [sflag:$0x1] =	stream.indirect.gather [hbm4b:s4+s13], $0x80, s3, s13, $0xb8;
	[tilespmem:$0x18100] =	vst v63  }
0x18: {  	_ =	swait.ge [sflag:s15], $0x4000  }
0x19: {  	[sflag:s15] =	ssyncset.done $0x0  }
0x1a: {  	s31 =	sadd.s32 $0x0, s9;
	[sflag:s15] =	ssyncadd.s32 $0xFFFFC000  }
0x1b: {  	[tilespmem:s13], [sflag:$0x2] =	stream.linear.gather [hbm4b:s31+s3], $0x80, $0x38;
	[tilespmem:$0x18100] =	vst v63  }
0x1c: {  	_ =	swait.ge [sflag:s12], $0x80  }
0x1d: {  	[sflag:s12] =	ssyncset.done $0x0  }
0x1e: {  	[sflag:s12] =	ssyncadd.s32 $0xFFFFFF80  }
0x1f: {  	[spmem:s2] =	stream.indirect.scatter.add.f32 [tilespmem:s14], [sflag:$0x2], $0x80, s13, s13, $0xb8;
	[tilespmem:$0x18100] =	vst v63  }
0x20: {  	_ =	swait.ge [sflag:s12], $0x4000  }
0x21: {  	s18 =	simm.s32 $0x20;
	s17 =	simm.s32 $0x10;
	[sflag:s12] =	ssyncset.done $0x0  }
.LBB2_2:
0x22: {  	s19 =	sadd.s32 s17, s10  }
0x23: {  	[sflag:s12] =	ssyncadd.s32 $0xFFFFC000;
	s20 =	smov.u32 s18;
	s21 =	sadd.s32 $0x10, s18  }
0x24: {  	[tilespmem:s3], [sflag:$0x2] =	stream.linear.gather [hbm4b:s19+s3], $0x80, $0x38;
	[tilespmem:$0x18100] =	vst v63  }
0x25: {  	p0 =	sne.s32 s18, $0x4E0;
	_ =	swait.ge [sflag:s12], $0x80  }
0x26: {  	[sflag:s12] =	ssyncset.done $0x0  }
0x27: {  	[sflag:s12] =	ssyncadd.s32 $0xFFFFFF80  }
0x28: {  	[tilespmem:s14], [sflag:$0x1] =	stream.indirect.gather [hbm4b:s4+s13], $0x80, s3, s13, $0xb8;
	[tilespmem:$0x18100] =	vst v63  }
0x29: {  	_ =	swait.ge [sflag:s15], $0x4000  }
0x2a: {  	[sflag:s15] =	ssyncset.done $0x0  }
0x2b: {  	s18 =	sadd.s32 s17, s9;
	s17 =	smov.u32 s20;
	[sflag:s15] =	ssyncadd.s32 $0xFFFFC000  }
0x2c: {  	[tilespmem:s13], [sflag:$0x2] =	stream.linear.gather [hbm4b:s18+s3], $0x80, $0x38;
	[tilespmem:$0x18100] =	vst v63  }
0x2d: {  	_ =	swait.ge [sflag:s12], $0x80  }
.Ltmp0:
0x2e: {  	[sflag:s12] =	ssyncset.done $0x0;
	(pc) =	sbr.rel @p0 .LBB2_2-.Ltmp0, $4  }
0x2f: {  	[sflag:s12] =	ssyncadd.s32 $0xFFFFFF80  }
0x30: {  	[spmem:s2] =	stream.indirect.scatter.add.f32 [tilespmem:s14], [sflag:$0x2], $0x80, s13, s13, $0xb8;
	[tilespmem:$0x18100] =	vst v63  }
0x31: {  	_ =	swait.ge [sflag:s12], $0x4000  }
0x32: {  	s18 =	smov.u32 s21;
	[sflag:s12] =	ssyncset.done $0x0  }
0x33: {  	s18 =	sadd.s32 s17, s10;
	[sflag:s12] =	ssyncadd.s32 $0xFFFFC000  }
0x34: {  	[tilespmem:s3], [sflag:$0x2] =	stream.linear.gather [hbm4b:s18+s3], $0x80, $0x38;
	[tilespmem:$0x18100] =	vst v63  }
0x35: {  	_ =	swait.ge [sflag:s12], $0x80  }
0x36: {  	[sflag:s12] =	ssyncset.done $0x0  }
0x37: {  	[sflag:s12] =	ssyncadd.s32 $0xFFFFFF80  }
0x38: {  	[tilespmem:s14], [sflag:$0x1] =	stream.indirect.gather [hbm4b:s4+s13], $0x80, s3, s13, $0xb8;
	[tilespmem:$0x18100] =	vst v63  }
0x39: {  	_ =	swait.ge [sflag:s15], $0x4000  }
0x3a: {  	[sflag:s15] =	ssyncset.done $0x0  }
0x3b: {  	s31 =	sadd.s32 s17, s9;
	[sflag:s15] =	ssyncadd.s32 $0xFFFFC000  }
0x3c: {  	[tilespmem:s13], [sflag:$0x2] =	stream.linear.gather [hbm4b:s31+s3], $0x80, $0x38;
	[tilespmem:$0x18100] =	vst v63  }
0x3d: {  	_ =	swait.ge [sflag:s12], $0x80  }
0x3e: {  	[sflag:s12] =	ssyncset.done $0x0  }
0x3f: {  	[sflag:s12] =	ssyncadd.s32 $0xFFFFFF80  }
0x40: {  	[spmem:s2] =	stream.indirect.scatter.add.f32 [tilespmem:s14], [sflag:$0x2], $0x80, s13, s13, $0xb8;
	[tilespmem:$0x18100] =	vst v63  }
0x41: {  	_ =	swait.ge [sflag:s12], $0x4000  }
0x42: {  	s16 =	sadd.s32 $0x1, s16;
	[sflag:s12] =	ssyncset.done $0x0  }
0x43: {  	p0 =	sne.s32 s16, s8;
	[sflag:s12] =	ssyncadd.s32 $0xFFFFC000  }
.Ltmp1:
0x44: {  	[bflag:$0x0] =	sbarrier.arrive $0xFFFF;
	(pc) =	sbr.rel @p0 .LBB2_1-.Ltmp1, $4  }
0x45: {  	[hbm:s7], [sflag:s6] =	dma.local [spmem:s11], $0x2800  }
0x46: {  	_ =	swait.ge [sflag:s12], $0x2800  }
0x47: {  	[sflag:s12] =	ssyncset.done $0x0  }
0x48: {  	[sflag:s12] =	ssyncadd.s32 $0xFFFFD800  }
0x49: {  	_ =	sfence.sel $0x180000  }
0x4a: {  	[bflag:$0x0] =	sbarrier.arrive $0xFFFF  }
0x4b: {  	p0 =	sne.s32 s1, $0x0;
	_ =	strace $0x9000004A  }
0x4c: {  	s0 =	sadd.s32 @!p0 $0x100000, s0;
	[bflag:$0x2] =	sbarrier.arrive $0xFFFF  }
0x4d: {  	[sflag:s0] =	ssyncadd.tile.s32 @!p0 $0x1;
	_ =	shalt  }
.Lfunc_end2:
_tile_overlayer_lowered:
.L_overlay_start_2:
0x4e: {  	(tag) =	ssettag $0x2  }
0x4f: {  	s0 =	rddreg [dreg:$0x0];
	s2 =	stileid.u32  }
0x50: {  	s1 =	rddreg [dreg:$0x1];
	p0 =	sne.s32 s2, $0x0  }
0x51: {  	s3 =	rddreg [dreg:$0x2];
	[bflag:$0x3] =	sbarrier.arrive $0xFFFF;
	s2 =	simm.s32 @!p0 $0x1C02  }
0x52: {  	[timem:s3], [sflag:s2] =	dma.local @!p0 [hbm:s0], s1  }
0x53: {  	s0 =	simm.s32 @!p0 $0x2  }
0x54: {  	_ =	swait.ge @!p0 [sflag:s0], s1  }
0x55: {  	s1 =	ssub.s32 @!p0 $0x0, s1;
	[sflag:s0] =	ssyncset.done @!p0 $0x0  }
0x56: {  	[sflag:s0] =	ssyncadd.s32 @!p0 s1  }
0x57: {  	[bflag:$0x3] =	sbarrier.arrive $0xFFFF  }
0x58: {  	_ =	shalt  }

// kernel: segsum.7.cloned.1.call-start
scs
__scs_entry_jumppad:
0x0: {  	(pc) =	sbr.rel $0x88, $3  }
0x1: {  	(tag) =	ssettag $0x0;
	lr =	simm.s32 $0x1  }
0x2: {  	[smem:$0x3F92] =	sst lr;
	_ =	strace $0xD0000000  }
0x3: {  	_ = 	snop  }
0x4: {  	_ = 	snop  }
0x5: {  	_ = 	snop  }
0x6: {  	_ = 	snop  }
0x7: {  	_ = 	snop  }
__scs_overlays_trampoline_lowered:
0x8: {  	[smem:$0x3FA1] =	sst s0  }
0x9: {  	[smem:$0x3FA2] =	sst s1  }
0xa: {  	[smem:$0x3FA3] =	sst s2  }
0xb: {  	[smem:$0x3FA4] =	sst s3  }
0xc: {  	[smem:$0x3FA5] =	sst s4  }
0xd: {  	[smem:$0x3FA6] =	sst s5  }
0xe: {  	[smem:$0x3FA7] =	sst s6  }
0xf: {  	[smem:$0x3FA8] =	sst s7  }
0x10: {  	[smem:$0x3FA9] =	sst s8  }
0x11: {  	[smem:$0x3FAA] =	sst s9;
	s0 =	simm.s32 @!p0 $0x0  }
0x12: {  	s1 =	sld [smem:$0x3F90];
	s0 =	simm.s32 @p0 $0x1  }
0x13: {  	[smem:$0x3FAB] =	sst s0;
	s0 =	simm.s32 @!p1 $0x0  }
0x14: {  	s2 =	sld [smem:$0x3F8F];
	s0 =	simm.s32 @p1 $0x1  }
0x15: {  	[smem:$0x3FAC] =	sst s0;
	s0 =	simm.s32 @!p2 $0x0  }
0x16: {  	s3 =	sld [smem:$0x3FDB];
	s0 =	simm.s32 @p2 $0x1  }
0x17: {  	s4 =	simm.s32 $0x1BF5;
	[smem:$0x3FAE] =	sst s0  }
0x18: {  	s0 =	sld [smem:$0x3F91];
	_ =	swait.ge [sflag:s4], $0x0  }
0x19: {  	s7 =	sld [smem:$0x3F92]  }
0x1a: {  	s8 =	sadd.s32 $0xFFFFE003, lr  }
0x1b: {  	s9 =	sadd.s32 $0xFFFFFEF7, lr;
	s5 =	simm.s32 $0xFFFFFFFF;
	p2 =	slt.u32 s8, $0xFFFFF086  }
0x1c: {  	p1 =	slt.u32 s9, $0xF7A;
	s5 =	simm.s32 @!p2 $0x0  }
0x1d: {  	s5 =	simm.s32 @p1 $0x1;
	p0 =	seq.s32 s7, s2  }
0x1e: {  	s7 =	smul.u32 @!p0 $0xF7A, s2;
	p2 =	seq.s32 @!p0 s5, $0x0  }
0x1f: {  	s9 =	smul.u32 $0xF7A, s1;
	s8 =	simm.s32 @!p0 $0x1BF5;
	p2 =	por !p2, p0  }
0x20: {  	[sflag:s8] =	ssyncset.s32 @!p0 $0xFFFFF086;
	s6 =	sadd.s32 @!p0 s3, s7;
	s7 =	simm.s32 @!p0 $0x108  }
0x21: {  	s3 =	sadd.s32 s3, s9;
	s6 =	sadd.s32 @!p0 $0x88, s6;
	s7 =	simm.s32 @p2 $0x1082  }
0x22: {  	[simem:s7], [sflag:s8] =	dma.local @!p0 [hbm:s6], $0xF7A  }
0x23: {  	s9 =	sor.u32 $0xD0000000, s2;
	s6 =	simm.s32 $0x108;
	_ =	swait.ge @!p0 [sflag:s8], $0x0  }
0x24: {  	s3 =	sadd.s32 $0x88, s3;
	s6 =	simm.s32 @!p1 $0x1082;
	[sflag:s4] =	ssyncset.s32 $0xFFFFF086  }
0x25: {  	[simem:s6], [sflag:s4] =	dma.local [hbm:s3], $0xF7A  }
0x26: {  	[smem:$0x3F92] =	sst s1;
	(tag) =	ssettag s2;
	_ =	strace s9  }
0x27: {  	s1 =	sld [smem:$0x3FA2]  }
0x28: {  	s2 =	sld [smem:$0x3FA3]  }
0x29: {  	s4 =	sld [smem:$0x3FA5]  }
0x2a: {  	p0 =	seq.s32 s5, $0x0;
	s5 =	sld [smem:$0x3FA6]  }
0x2b: {  	s6 =	sld [smem:$0x3FA7]  }
0x2c: {  	s7 =	sld [smem:$0x3FA8]  }
0x2d: {  	s3 =	simm.s32 $0x108;
	s8 =	sld [smem:$0x3FA9]  }
0x2e: {  	s3 =	simm.s32 @!p0 $0x1082;
	s9 =	sld [smem:$0x3FAA]  }
0x2f: {  	lr =	sadd.s32 s0, s3;
	s0 =	sld [smem:$0x3FA1]  }
0x30: {  	s3 =	sld [smem:$0x3FA4]  }
0x31: {  	[smem:$0x3FAD] =	sst s10  }
0x32: {  	s10 =	sld [smem:$0x3FAB];
	_ =	sdelay $0x3  }
0x33: {  	p0 =	seq.s32 s10, $0x1;
	s10 =	sld [smem:$0x3FAD];
	_ =	sdelay $0x3  }
0x34: {  	[smem:$0x3FAD] =	sst s10  }
0x35: {  	s10 =	sld [smem:$0x3FAC];
	_ =	sdelay $0x3  }
0x36: {  	p1 =	seq.s32 s10, $0x1;
	s10 =	sld [smem:$0x3FAD];
	_ =	sdelay $0x3  }
0x37: {  	[smem:$0x3FAD] =	sst s10  }
0x38: {  	s10 =	sld [smem:$0x3FAE]  }
0x39: {  	_ = 	snop;
	(pc) =	sbr.ind lr, $3  }
0x3a: {  	_ = 	snop  }
0x3b: {  	_ = 	snop  }
0x3c: {  	p2 =	seq.s32 s10, $0x1;
	s10 =	sld [smem:$0x3FAD]  }
0x3d: {  	_ =	shalt  }
0x3e: {  	_ =	shalt  }
0x3f: {  	_ =	shalt  }
0x40: {  	_ =	shalt  }
0x41: {  	_ =	shalt  }
0x42: {  	_ =	shalt  }
0x43: {  	_ =	shalt  }
0x44: {  	_ =	shalt  }
0x45: {  	_ =	shalt  }
0x46: {  	_ =	shalt  }
0x47: {  	_ =	shalt  }
0x48: {  	_ =	shalt  }
0x49: {  	_ =	shalt  }
0x4a: {  	_ =	shalt  }
0x4b: {  	_ =	shalt  }
0x4c: {  	_ =	shalt  }
0x4d: {  	_ =	shalt  }
0x4e: {  	_ =	shalt  }
0x4f: {  	_ =	shalt  }
0x50: {  	_ =	shalt  }
0x51: {  	_ =	shalt  }
0x52: {  	_ =	shalt  }
0x53: {  	_ =	shalt  }
0x54: {  	_ =	shalt  }
0x55: {  	_ =	shalt  }
0x56: {  	_ =	shalt  }
0x57: {  	_ =	shalt  }
0x58: {  	_ =	shalt  }
0x59: {  	_ =	shalt  }
0x5a: {  	_ =	shalt  }
0x5b: {  	_ =	shalt  }
0x5c: {  	_ =	shalt  }
0x5d: {  	_ =	shalt  }
0x5e: {  	_ =	shalt  }
0x5f: {  	_ =	shalt  }
0x60: {  	_ =	shalt  }
0x61: {  	_ =	shalt  }
0x62: {  	_ =	shalt  }
0x63: {  	_ =	shalt  }
0x64: {  	_ =	shalt  }
0x65: {  	_ =	shalt  }
0x66: {  	_ =	shalt  }
0x67: {  	_ =	shalt  }
0x68: {  	_ =	shalt  }
0x69: {  	_ =	shalt  }
0x6a: {  	_ =	shalt  }
0x6b: {  	_ =	shalt  }
0x6c: {  	_ =	shalt  }
0x6d: {  	_ =	shalt  }
0x6e: {  	_ =	shalt  }
0x6f: {  	_ =	shalt  }
0x70: {  	_ =	shalt  }
0x71: {  	_ =	shalt  }
0x72: {  	_ =	shalt  }
0x73: {  	_ =	shalt  }
0x74: {  	_ =	shalt  }
0x75: {  	_ =	shalt  }
0x76: {  	_ =	shalt  }
0x77: {  	_ =	shalt  }
0x78: {  	_ =	shalt  }
0x79: {  	_ =	shalt  }
0x7a: {  	_ =	shalt  }
0x7b: {  	_ =	shalt  }
0x7c: {  	_ =	shalt  }
0x7d: {  	_ =	shalt  }
0x7e: {  	_ =	shalt  }
0x7f: {  	_ =	shalt  }
0x80: {  	_ =	shalt  }
0x81: {  	_ =	shalt  }
0x82: {  	_ =	shalt  }
0x83: {  	_ =	shalt  }
0x84: {  	_ =	shalt  }
0x85: {  	_ =	shalt  }
0x86: {  	_ =	shalt  }
0x87: {  	_ =	shalt  }
.Lfunc_end0:
.L_simem_size_0:
called_computation.2_lowered:
.L_overlay_start_0:
0x88: {  	s2 =	sld [smem:$0x3FD9]  }
0x89: {  	s3 =	sld [smem:$0x3FFE];
	_ =	sdelay $0x1  }
0x8a: {  	s1 =	srdreg.scid  }
0x8b: {  	s0 =	sand.u32 $0x1, s1  }
0x8c: {  	s16 =	sshll.u32 s0, $0xA;
	s2 =	sadd.s32 s3, s2  }
0x8d: {  	s2 =	sadd.s32 s2, s16  }
0x8e: {  	[smem:$0x3FB9] =	sst s2  }
0x8f: {  	_ = 	snop  }
0x90: {  	(tm) =	ssettm $0x1  }
0x91: {  	s17 =	sld [smem:$0x3FFB];
	_ =	sdelay $0x3  }
0x92: {  	_ =	strace s17  }
0x93: {  	s2 =	sld [smem:$0x3FFC];
	_ =	sdelay $0x3  }
0x94: {  	_ =	strace s2  }
0x95: {  	s2 =	sld [smem:$0x3FFD];
	_ =	sdelay $0x3  }
0x96: {  	_ =	strace s2  }
0x97: {  	_ =	strace $0x8FFFFFFF  }
0x98: {  	s18 =	sld [smem:$0x3FDB];
	_ =	sdelay $0x1  }
0x99: {  	s19 =	simm.s32 $_scs_section_size  }
0x9a: {  	s4 =	simm.s32 $_size__tile_overlayer_lowered;
	s5 =	simm.s32 $_tile_overlayer_lowered  }
0x9b: {  	s22 =	simm.s32 $0x1BFF;
	s21 =	sshll.u32 s5, $0x1;
	s2 =	sadd.s32 s19, s18  }
0x9c: {  	s6 =	simm.s32 $0x0;
	s20 =	sshll.u32 s4, $0x1;
	s4 =	sadd.s32 s21, s2  }
0x9d: {  	[timem:s6], [sflag:s22] =	dma.local [hbm:s4], s20  }
0x9e: {  	_ =	swait.ge [sflag:s22], s20  }
0x9f: {  	s3 =	ssub.s32 $0x0, s20;
	[sflag:s22] =	ssyncset.done $0x0  }
0xa0: {  	[sflag:s22] =	ssyncadd.s32 s3;
	_ =	sdelay $0x1  }
0xa1: {  	s23 =	simm.s32 $0x1B8B  }
0xa2: {  	_ =	swait.ge [sflag:s23], $0x1  }
0xa3: {  	[sflag:s23] =	ssyncset.done $0x0  }
0xa4: {  	s25 =	simm.s32 $0x1B8E;
	s24 =	sld [smem:$0x3FFE];
	[sflag:s23] =	ssyncadd.s32 $0xFFFFFFFF  }
0xa5: {  	s26 =	simm.s32 $execute0_lowered;
	[smem:$0x3FD2] =	sst s25  }
0xa6: {  	s4 =	sshll.u32 s26, $0x1;
	_ =	strace $0x8000004C;
	[dreg:$0x1] =	wrdreg $0xFFFFFFFF  }
0xa7: {  	s28 =	simm.s32 $_size_execute0_lowered;
	s2 =	sadd.s32 s2, s4;
	[dreg:$0x0] =	wrdreg $0x0  }
0xa8: {  	s4 =	sshll.u32 s28, $0x1;
	[dreg:$0x2] =	wrdreg s2  }
0xa9: {  	[dreg:$0x3] =	wrdreg s4  }
0xaa: {  	[dreg:$0x4] =	wrdreg $0xC0  }
0xab: {  	_ =	task [dreg:s6], $0x5FFFF  }
0xac: {  	[dreg:$0x1] =	wrdreg $0xFFFFFFFF  }
0xad: {  	[dreg:$0x0] =	wrdreg $0x60  }
0xae: {  	[dreg:$0x2] =	wrdreg s24  }
0xaf: {  	[dreg:$0x3] =	wrdreg $0x41000  }
0xb0: {  	[dreg:$0x4] =	wrdreg $0x9  }
0xb1: {  	_ =	task.clear_ibuf [dreg:s6], $0x5FFFF;
	_ =	strace $0x9000004C  }
0xb2: {  	s29 =	simm.s32 $0x9;
	_ =	strace $0x8000004E  }
0xb3: {  	_ =	swait.ge [sflag:s29], $0x1  }
0xb4: {  	[sflag:s29] =	ssyncadd.s32 $0xFFFFFFFF  }
0xb5: {  	_ =	strace $0x9000004E  }
0xb6: {  	_ =	sfence  }
0xb7: {  	s30 =	sld [smem:$0x0];
	_ =	sdelay $0x2  }
0xb8: {  	s31 =	sshll.u32 s1, $0xD;
	s1 =	sshrl.u32 s1, $0x2  }
0xb9: {  	s3 =	sand.u32 $0x4000, s31;
	s1 =	sadd.s32 s1, s30  }
0xba: {  	s0 =	sor.u32 s3, s0;
	s1 =	sshll.u32 s1, $0x11  }
0xbb: {  	s0 =	sor.u32 s1, s0  }
0xbc: {  	s0 =	sadd.s32 $0x8F2B, s0  }
0xbd: {  	[sflag:s0] =	ssyncadd.remote.s32 $0x1  }
0xbe: {  	_ =	sfence.sel $0xFFFF  }
0xbf: {  	[dreg:$0x0] =	wrdreg $0xFFFFFFFF;
	(pc) =	sbr.abs _section_cstart, $3  }
0xc0: {  	[dreg:$0x1] =	wrdreg $0xFFFFFFFF  }
0xc1: {  	_ =	task.clear_ibuf [dreg:s6], $0x2FFFF;
	_ =	strace $0x9FFFFFFF  }
0xc2: {  	(tm) =	ssettm $0x7FFFFFFF  }
0xc3: {  	_ =	shalt  }
tec
execute0_lowered:
.L_overlay_start_1:
0x0: {  	(tag) =	ssettag $0x1  }
0x1: {  	s6 =	rddreg [dreg:$0x0];
	s0 =	srdreg.scid  }
0x2: {  	s2 =	rddreg [dreg:$0x1];
	s1 =	stileid.u32;
	s3 =	simm.s32 $0x0  }
0x3: {  	s14 =	simm.s32 $0x100;
	s15 =	simm.s32 $0x1;
	s8 =	smul.u32 $0x14000, s1  }
0x4: {  	s7 =	sand.u32 $0x1, s0;
	s0 =	rddreg [dreg:$0x2];
	s10 =	smul.u32 $0x50000, s1  }
0x5: {  	s16 =	simm.s32 $0x0;
	[smem:$0x7FF] =	sst s3;
	s11 =	smul.u32 $0x4F0, s1  }
0x6: {  	s4 =	sadd.s32 $0x49C00, s6;
	s30 =	sshll.u32 s1, $0x6;
	s5 =	smul.u32 $0x140000, s7  }
0x7: {  	s9 =	smul.u32 $0x4F00, s7;
	_ =	strace $0x8000004D;
	s29 =	ssub.s32 $0x2, s7  }
0x8: {  	s7 =	sshrl.u32 s29, $0x1;
	s10 =	sshrl.u32 s10, $0x2;
	s5 =	sadd.s32 s8, s5  }
0x9: {  	s26 =	sadd.s32 s9, s6;
	s12 =	ssub.s32 s29, s7;
	s13 =	sadd.s32 s10, s2  }
0xa: {  	s28 =	sshrl.u32 s5, $0x3;
	s5 =	sadd.s32 $0x3600, s6;
	s31 =	sadd.s32 s11, s26  }
0xb: {  	s8 =	smax.u32 s12, $0x1;
	s11 =	sshrl.u32 s13, $0x3;
	s12 =	simm.s32 $0x2  }
0xc: {  	s13 =	simm.s32 $0x80;
	s9 =	sadd.s32 s28, s6;
	s6 =	sor.u32 $0x1C02, s30  }
0xd: {  	s10 =	sadd.s32 $0x17E00, s31;
	s7 =	sadd.s32 $0x71C00, s9;
	s9 =	sadd.s32 $0xD400, s31  }
.LBB2_1:
0xe: {  	[spmem:s11], [sflag:s6] =	dma.local [hbm:s5], $0x2800  }
0xf: {  	_ =	swait.ge [sflag:s12], $0x2800  }
0x10: {  	[sflag:s12] =	ssyncset.done $0x0  }
0x11: {  	[sflag:s12] =	ssyncadd.s32 $0xFFFFD800  }
0x12: {  	s17 =	sadd.s32 $0x0, s10;
	[bflag:$0x0] =	sbarrier.arrive $0xFFFF  }
0x13: {  	[tilespmem:s3], [sflag:$0x2] =	stream.linear.gather [hbm4b:s17+s3], $0x80, $0x38;
	[tilespmem:$0x18100] =	vst v63  }
0x14: {  	_ =	swait.ge [sflag:s12], $0x80  }
0x15: {  	[sflag:s12] =	ssyncset.done $0x0  }
0x16: {  	[sflag:s12] =	ssyncadd.s32 $0xFFFFFF80  }
0x17: {  	[tilespmem:s14], [sflag:$0x1] =	stream.indirect.gather [hbm4b:s4+s13], $0x80, s3, s13, $0xb8;
	[tilespmem:$0x18100] =	vst v63  }
0x18: {  	_ =	swait.ge [sflag:s15], $0x4000  }
0x19: {  	[sflag:s15] =	ssyncset.done $0x0  }
0x1a: {  	s31 =	sadd.s32 $0x0, s9;
	[sflag:s15] =	ssyncadd.s32 $0xFFFFC000  }
0x1b: {  	[tilespmem:s13], [sflag:$0x2] =	stream.linear.gather [hbm4b:s31+s3], $0x80, $0x38;
	[tilespmem:$0x18100] =	vst v63  }
0x1c: {  	_ =	swait.ge [sflag:s12], $0x80  }
0x1d: {  	[sflag:s12] =	ssyncset.done $0x0  }
0x1e: {  	[sflag:s12] =	ssyncadd.s32 $0xFFFFFF80  }
0x1f: {  	[spmem:s2] =	stream.indirect.scatter.add.f32 [tilespmem:s14], [sflag:$0x2], $0x80, s13, s13, $0xb8;
	[tilespmem:$0x18100] =	vst v63  }
0x20: {  	_ =	swait.ge [sflag:s12], $0x4000  }
0x21: {  	s18 =	simm.s32 $0x20;
	s17 =	simm.s32 $0x10;
	[sflag:s12] =	ssyncset.done $0x0  }
.LBB2_2:
0x22: {  	s19 =	sadd.s32 s17, s10  }
0x23: {  	[sflag:s12] =	ssyncadd.s32 $0xFFFFC000;
	s20 =	smov.u32 s18;
	s21 =	sadd.s32 $0x10, s18  }
0x24: {  	[tilespmem:s3], [sflag:$0x2] =	stream.linear.gather [hbm4b:s19+s3], $0x80, $0x38;
	[tilespmem:$0x18100] =	vst v63  }
0x25: {  	p0 =	sne.s32 s18, $0x4E0;
	_ =	swait.ge [sflag:s12], $0x80  }
0x26: {  	[sflag:s12] =	ssyncset.done $0x0  }
0x27: {  	[sflag:s12] =	ssyncadd.s32 $0xFFFFFF80  }
0x28: {  	[tilespmem:s14], [sflag:$0x1] =	stream.indirect.gather [hbm4b:s4+s13], $0x80, s3, s13, $0xb8;
	[tilespmem:$0x18100] =	vst v63  }
0x29: {  	_ =	swait.ge [sflag:s15], $0x4000  }
0x2a: {  	[sflag:s15] =	ssyncset.done $0x0  }
0x2b: {  	s18 =	sadd.s32 s17, s9;
	s17 =	smov.u32 s20;
	[sflag:s15] =	ssyncadd.s32 $0xFFFFC000  }
0x2c: {  	[tilespmem:s13], [sflag:$0x2] =	stream.linear.gather [hbm4b:s18+s3], $0x80, $0x38;
	[tilespmem:$0x18100] =	vst v63  }
0x2d: {  	_ =	swait.ge [sflag:s12], $0x80  }
.Ltmp0:
0x2e: {  	[sflag:s12] =	ssyncset.done $0x0;
	(pc) =	sbr.rel @p0 .LBB2_2-.Ltmp0, $4  }
0x2f: {  	[sflag:s12] =	ssyncadd.s32 $0xFFFFFF80  }
0x30: {  	[spmem:s2] =	stream.indirect.scatter.add.f32 [tilespmem:s14], [sflag:$0x2], $0x80, s13, s13, $0xb8;
	[tilespmem:$0x18100] =	vst v63  }
0x31: {  	_ =	swait.ge [sflag:s12], $0x4000  }
0x32: {  	s18 =	smov.u32 s21;
	[sflag:s12] =	ssyncset.done $0x0  }
0x33: {  	s18 =	sadd.s32 s17, s10;
	[sflag:s12] =	ssyncadd.s32 $0xFFFFC000  }
0x34: {  	[tilespmem:s3], [sflag:$0x2] =	stream.linear.gather [hbm4b:s18+s3], $0x80, $0x38;
	[tilespmem:$0x18100] =	vst v63  }
0x35: {  	_ =	swait.ge [sflag:s12], $0x80  }
0x36: {  	[sflag:s12] =	ssyncset.done $0x0  }
0x37: {  	[sflag:s12] =	ssyncadd.s32 $0xFFFFFF80  }
0x38: {  	[tilespmem:s14], [sflag:$0x1] =	stream.indirect.gather [hbm4b:s4+s13], $0x80, s3, s13, $0xb8;
	[tilespmem:$0x18100] =	vst v63  }
0x39: {  	_ =	swait.ge [sflag:s15], $0x4000  }
0x3a: {  	[sflag:s15] =	ssyncset.done $0x0  }
0x3b: {  	s31 =	sadd.s32 s17, s9;
	[sflag:s15] =	ssyncadd.s32 $0xFFFFC000  }
0x3c: {  	[tilespmem:s13], [sflag:$0x2] =	stream.linear.gather [hbm4b:s31+s3], $0x80, $0x38;
	[tilespmem:$0x18100] =	vst v63  }
0x3d: {  	_ =	swait.ge [sflag:s12], $0x80  }
0x3e: {  	[sflag:s12] =	ssyncset.done $0x0  }
0x3f: {  	[sflag:s12] =	ssyncadd.s32 $0xFFFFFF80  }
0x40: {  	[spmem:s2] =	stream.indirect.scatter.add.f32 [tilespmem:s14], [sflag:$0x2], $0x80, s13, s13, $0xb8;
	[tilespmem:$0x18100] =	vst v63  }
0x41: {  	_ =	swait.ge [sflag:s12], $0x4000  }
0x42: {  	s16 =	sadd.s32 $0x1, s16;
	[sflag:s12] =	ssyncset.done $0x0  }
0x43: {  	p0 =	sne.s32 s16, s8;
	[sflag:s12] =	ssyncadd.s32 $0xFFFFC000  }
.Ltmp1:
0x44: {  	[bflag:$0x0] =	sbarrier.arrive $0xFFFF;
	(pc) =	sbr.rel @p0 .LBB2_1-.Ltmp1, $4  }
0x45: {  	[hbm:s7], [sflag:s6] =	dma.local [spmem:s11], $0x2800  }
0x46: {  	_ =	swait.ge [sflag:s12], $0x2800  }
0x47: {  	[sflag:s12] =	ssyncset.done $0x0  }
0x48: {  	[sflag:s12] =	ssyncadd.s32 $0xFFFFD800  }
0x49: {  	_ =	sfence.sel $0x180000  }
0x4a: {  	[bflag:$0x0] =	sbarrier.arrive $0xFFFF  }
0x4b: {  	p0 =	sne.s32 s1, $0x0;
	_ =	strace $0x9000004D  }
0x4c: {  	s0 =	sadd.s32 @!p0 $0x100000, s0;
	[bflag:$0x2] =	sbarrier.arrive $0xFFFF  }
0x4d: {  	[sflag:s0] =	ssyncadd.tile.s32 @!p0 $0x1;
	_ =	shalt  }
.Lfunc_end2:
_tile_overlayer_lowered:
.L_overlay_start_2:
0x4e: {  	(tag) =	ssettag $0x2  }
0x4f: {  	s0 =	rddreg [dreg:$0x0];
	s2 =	stileid.u32  }
0x50: {  	s1 =	rddreg [dreg:$0x1];
	p0 =	sne.s32 s2, $0x0  }
0x51: {  	s3 =	rddreg [dreg:$0x2];
	[bflag:$0x3] =	sbarrier.arrive $0xFFFF;
	s2 =	simm.s32 @!p0 $0x1C02  }
0x52: {  	[timem:s3], [sflag:s2] =	dma.local @!p0 [hbm:s0], s1  }
0x53: {  	s0 =	simm.s32 @!p0 $0x2  }
0x54: {  	_ =	swait.ge @!p0 [sflag:s0], s1  }
0x55: {  	s1 =	ssub.s32 @!p0 $0x0, s1;
	[sflag:s0] =	ssyncset.done @!p0 $0x0  }
0x56: {  	[sflag:s0] =	ssyncadd.s32 @!p0 s1  }
0x57: {  	[bflag:$0x3] =	sbarrier.arrive $0xFFFF  }
0x58: {  	_ =	shalt  }

</sc_bundles>
